<compile_context>
chip_gen: v7x
topology: tpu7x:2x2x1
jax: 0.10.2.dev20260603
libtpu: 0.0.44.dev20260713+nightly
codegen_flags: <defaults>
</compile_context>

<pallas_src>
import functools

import jax
import jax.numpy as jnp
from jax import lax
from jax.experimental import pallas as pl
from jax.experimental.pallas import tpu as pltpu
from jax.experimental.pallas import tpu_sc as plsc

N = 10000
N_PAD = 10240
E = 320000
LANES = 128
N_SUB = 16
N_WORKERS = 2 * N_SUB
CHUNKS = 80
E_PAD = CHUNKS * LANES * N_WORKERS
ROWS_PER_SUB = N_PAD // N_SUB
IN_CH, HID_CH, OUT_CH = 128, 128, 64
RB = 512

_mesh = plsc.VectorSubcoreMesh(core_axis_name="c", subcore_axis_name="s")


@functools.partial(
    pl.kernel,
    out_type=jax.ShapeDtypeStruct((N_WORKERS, N_PAD), jnp.float32),
    mesh=_mesh,
    scratch_types=[
        pltpu.VMEM((CHUNKS, LANES), jnp.int32),
        pltpu.VMEM((N_PAD,), jnp.float32),
    ],
    compiler_params=pltpu.CompilerParams(needs_layout_passes=False),
)
def _sc_degree(dst_hbm, out_hbm, dst_v, hist_v):
    c = lax.axis_index("c")
    s = lax.axis_index("s")
    wid = c * N_SUB + s
    pltpu.sync_copy(dst_hbm.at[pl.ds(wid * CHUNKS, CHUNKS)], dst_v)
    zero16 = jnp.zeros((16,), jnp.float32)

    def zbody(i, carry):
        hist_v[pl.ds(i * 16, 16)] = zero16
        return carry

    lax.fori_loop(0, N_PAD // 16, zbody, 0)
    ones16 = jnp.ones((16,), jnp.float32)

    def body(j, carry):
        for k in range(LANES // 16):
            idx = dst_v[j, pl.ds(k * 16, 16)]
            plsc.addupdate_scatter(hist_v, [idx], ones16)
        return carry

    lax.fori_loop(0, CHUNKS, body, 0)
    pltpu.sync_copy(hist_v, out_hbm.at[wid])


NBUF = 2
PCH = 80


def _edge_loop(hp_s, acc, src_hbm, dst_hbm, src_v, dst_v, rows, sems, base, phases):
    for phase in range(phases):
        pltpu.sync_copy(src_hbm.at[pl.ds(base + phase * PCH, PCH)], src_v)
        pltpu.sync_copy(dst_hbm.at[pl.ds(base + phase * PCH, PCH)], dst_v)
        for b in range(NBUF):
            pltpu.async_copy(hp_s.at[src_v.at[b]], rows[b], sems[b])

        def body(t, carry):
            j = t * NBUF
            for b in range(NBUF):
                pltpu.make_async_copy(hp_s.at[src_v.at[j + b]], rows[b], sems[b]).wait()
                pltpu.sync_copy(rows[b], acc.at[dst_v.at[j + b]], add=True)

                @pl.when(j + b + NBUF < PCH)
                def _():
                    pltpu.async_copy(hp_s.at[src_v.at[j + b + NBUF]], rows[b], sems[b])

            return carry

        lax.fori_loop(0, PCH // NBUF, body, 0)


_SC_PROP_SCRATCH = [
    pltpu.VMEM((PCH, LANES), jnp.int32),
    pltpu.VMEM((PCH, LANES), jnp.int32),
    [pltpu.VMEM((LANES, OUT_CH), jnp.float32) for _ in range(NBUF)],
    pltpu.VMEM_SHARED((N_PAD, OUT_CH), jnp.float32),
    pltpu.VMEM_SHARED((N_PAD, OUT_CH), jnp.float32),
    [pltpu.SemaphoreType.DMA for _ in range(NBUF)],
]


@functools.partial(
    pl.kernel,
    out_type=jax.ShapeDtypeStruct((2, N_PAD, OUT_CH), jnp.float32),
    mesh=_mesh,
    scratch_types=_SC_PROP_SCRATCH,
    compiler_params=pltpu.CompilerParams(use_tc_tiling_on_sc=False),
)
def _sc_prop_l1(ha_hbm, hb_hbm, src_hbm, dst_hbm, out_hbm, src_v, dst_v, rows, acc, hp_s, sems):
    c = lax.axis_index("c")
    s = lax.axis_index("s")
    rs = s * ROWS_PER_SUB

    @pl.when(c == 0)
    def _():
        pltpu.sync_copy(ha_hbm.at[pl.ds(rs, ROWS_PER_SUB)], hp_s.at[pl.ds(rs, ROWS_PER_SUB)])
        pltpu.sync_copy(ha_hbm.at[pl.ds(rs, ROWS_PER_SUB)], acc.at[pl.ds(rs, ROWS_PER_SUB)])

    @pl.when(c != 0)
    def _():
        pltpu.sync_copy(hb_hbm.at[pl.ds(rs, ROWS_PER_SUB)], hp_s.at[pl.ds(rs, ROWS_PER_SUB)])
        pltpu.sync_copy(hb_hbm.at[pl.ds(rs, ROWS_PER_SUB)], acc.at[pl.ds(rs, ROWS_PER_SUB)])

    plsc.subcore_barrier()
    _edge_loop(hp_s, acc, src_hbm, dst_hbm, src_v, dst_v, rows, sems, s * (2 * CHUNKS), 2)
    plsc.subcore_barrier()
    pltpu.sync_copy(acc.at[pl.ds(rs, ROWS_PER_SUB)], out_hbm.at[c, pl.ds(rs, ROWS_PER_SUB)])


@functools.partial(
    pl.kernel,
    out_type=jax.ShapeDtypeStruct((2, N_PAD, OUT_CH), jnp.float32),
    mesh=_mesh,
    scratch_types=_SC_PROP_SCRATCH,
    compiler_params=pltpu.CompilerParams(use_tc_tiling_on_sc=False),
)
def _sc_prop(hp_hbm, zero_hbm, src_hbm, dst_hbm, out_hbm, src_v, dst_v, rows, acc, hp_s, sems):
    c = lax.axis_index("c")
    s = lax.axis_index("s")
    wid = c * N_SUB + s
    rs = s * ROWS_PER_SUB

    pltpu.sync_copy(hp_hbm.at[pl.ds(rs, ROWS_PER_SUB)], hp_s.at[pl.ds(rs, ROWS_PER_SUB)])

    @pl.when(c == 0)
    def _():
        pltpu.sync_copy(hp_hbm.at[pl.ds(rs, ROWS_PER_SUB)], acc.at[pl.ds(rs, ROWS_PER_SUB)])

    @pl.when(c != 0)
    def _():
        pltpu.sync_copy(zero_hbm.at[pl.ds(rs, ROWS_PER_SUB)], acc.at[pl.ds(rs, ROWS_PER_SUB)])

    plsc.subcore_barrier()
    _edge_loop(hp_s, acc, src_hbm, dst_hbm, src_v, dst_v, rows, sems, wid * CHUNKS, 1)
    plsc.subcore_barrier()
    pltpu.sync_copy(acc.at[pl.ds(rs, ROWS_PER_SUB)], out_hbm.at[c, pl.ds(rs, ROWS_PER_SUB)])


def _dis_from_parts(degp):
    deg = jnp.sum(degp, axis=0) + 1.0
    return lax.rsqrt(deg)[:, None]


def _tc_k1(x_ref, w_ref, degp_ref, outa_ref, outb_ref):
    dis = _dis_from_parts(degp_ref[...])
    h = jnp.dot(x_ref[...], w_ref[...], preferred_element_type=jnp.float32) * dis
    outa_ref[...] = h[:, :OUT_CH]
    outb_ref[...] = h[:, OUT_CH:]


def _tc_k2(p_ref, degp_ref, b1_ref, w2_ref, out_ref):
    dis = _dis_from_parts(degp_ref[...])
    ssum = jnp.concatenate([p_ref[0], p_ref[1]], axis=1)
    h = jnp.maximum(ssum * dis + b1_ref[...], 0.0)
    out_ref[...] = jnp.dot(h, w2_ref[...], preferred_element_type=jnp.float32) * dis


def _tc_k3(q_ref, degp_ref, b2_ref, out_ref):
    dis = _dis_from_parts(degp_ref[...])
    out_ref[...] = (q_ref[0] + q_ref[1]) * dis + b2_ref[...]


def kernel(x, edge_index, W1, b1, W2, b2):
    x_pad = jnp.zeros((N_PAD, IN_CH), jnp.float32).at[:N].set(x)
    src = edge_index[0].astype(jnp.int32)
    dst = edge_index[1].astype(jnp.int32)
    pad = jnp.full((E_PAD - E,), N, jnp.int32)
    src_r = jnp.concatenate([src, pad]).reshape(E_PAD // LANES, LANES)
    dst_r = jnp.concatenate([dst, pad]).reshape(E_PAD // LANES, LANES)
    zeros_o = jnp.zeros((N_PAD, OUT_CH), jnp.float32)

    degp = _sc_degree(dst_r)

    grid = (N_PAD // RB,)
    h1a, h1b = pl.pallas_call(
        _tc_k1,
        grid=grid,
        in_specs=[
            pl.BlockSpec((RB, IN_CH), lambda i: (i, 0)),
            pl.BlockSpec((IN_CH, HID_CH), lambda i: (0, 0)),
            pl.BlockSpec((N_WORKERS, RB), lambda i: (0, i)),
        ],
        out_specs=[
            pl.BlockSpec((RB, OUT_CH), lambda i: (i, 0)),
            pl.BlockSpec((RB, OUT_CH), lambda i: (i, 0)),
        ],
        out_shape=[
            jax.ShapeDtypeStruct((N_PAD, OUT_CH), jnp.float32),
            jax.ShapeDtypeStruct((N_PAD, OUT_CH), jnp.float32),
        ],
    )(x_pad, W1, degp)

    part1 = _sc_prop_l1(h1a, h1b, src_r, dst_r)

    h2p = pl.pallas_call(
        _tc_k2,
        grid=grid,
        in_specs=[
            pl.BlockSpec((2, RB, OUT_CH), lambda i: (0, i, 0)),
            pl.BlockSpec((N_WORKERS, RB), lambda i: (0, i)),
            pl.BlockSpec((1, HID_CH), lambda i: (0, 0)),
            pl.BlockSpec((HID_CH, OUT_CH), lambda i: (0, 0)),
        ],
        out_specs=pl.BlockSpec((RB, OUT_CH), lambda i: (i, 0)),
        out_shape=jax.ShapeDtypeStruct((N_PAD, OUT_CH), jnp.float32),
    )(part1, degp, b1[None, :], W2)

    part2 = _sc_prop(h2p, zeros_o, src_r, dst_r)

    z = pl.pallas_call(
        _tc_k3,
        grid=grid,
        in_specs=[
            pl.BlockSpec((2, RB, OUT_CH), lambda i: (0, i, 0)),
            pl.BlockSpec((N_WORKERS, RB), lambda i: (0, i)),
            pl.BlockSpec((1, OUT_CH), lambda i: (0, 0)),
        ],
        out_specs=pl.BlockSpec((RB, OUT_CH), lambda i: (i, 0)),
        out_shape=jax.ShapeDtypeStruct((N_PAD, OUT_CH), jnp.float32),
    )(part2, degp, b2[None, :])

    return z[:N]

# --- scband reference (transcript-rebuilt; emitter-appended) ---
"""Pipeline reference for scband-gae-14001593385007 (READ-ONLY COPY).

The authoritative reference and input builder live on the scoring server;
editing this copy changes nothing except your own understanding.
"""

import jax, jax.numpy as jnp
import numpy as np

N_NODES = 10000
N_EDGES = 320000
IN_CH = 128
HID_CH = 128
OUT_CH = 64


def setup_inputs(seed: int = 0) -> dict:
    key = jax.random.key(seed)
    k_x, k_e, k_w1, k_w2 = jax.random.split(key, 4)
    x = jax.random.normal(k_x, (N_NODES, IN_CH), dtype=jnp.float32)
    edge_index = jax.random.randint(k_e, (2, N_EDGES), 0, N_NODES, dtype=jnp.int64)
    # GCNConv weights (glorot-ish scaling) and zero biases, sized per init_kwargs
    W1 = jax.random.normal(k_w1, (IN_CH, HID_CH), dtype=jnp.float32) * (1.0 / np.sqrt(IN_CH))
    b1 = jnp.zeros((HID_CH,), dtype=jnp.float32)
    W2 = jax.random.normal(k_w2, (HID_CH, OUT_CH), dtype=jnp.float32) * (1.0 / np.sqrt(HID_CH))
    b2 = jnp.zeros((OUT_CH,), dtype=jnp.float32)
    return {"x": x, "edge_index": edge_index, "W1": W1, "b1": b1, "W2": W2, "b2": b2}


def _gcn_conv(x, src, dst, deg_inv_sqrt, W, b, n_nodes):
    # Standard GCNConv: out = D^{-1/2} (A + I) D^{-1/2} X W + b
    h = x @ W
    norm = deg_inv_sqrt[src] * deg_inv_sqrt[dst]
    msg = h[src] * norm[:, None]
    out = jax.ops.segment_sum(msg, dst, num_segments=n_nodes)
    return out + b


def reference(x, edge_index, W1, b1, W2, b2):
    n_nodes = x.shape[0]
    loop = jnp.arange(n_nodes, dtype=edge_index.dtype)
    src = jnp.concatenate([edge_index[0], loop])
    dst = jnp.concatenate([edge_index[1], loop])
    # symmetric normalization with self-loops included
    deg = jnp.zeros((n_nodes,), dtype=x.dtype).at[dst].add(1.0)
    deg_inv_sqrt = jnp.where(deg > 0, jax.lax.rsqrt(jnp.maximum(deg, 1e-12)), 0.0)
    h = _gcn_conv(x, src, dst, deg_inv_sqrt, W1, b1, n_nodes)
    h = jax.nn.relu(h)
    z = _gcn_conv(h, src, dst, deg_inv_sqrt, W2, b2, n_nodes)
    return z

if __name__ == "__main__":
    import jax
    _d = setup_inputs()
    print(jax.jit(kernel)(*tuple(_d.values())))

</pallas_src>

<mosaic_0001>
#map = affine_map<(d0, d1) -> (0, 0)>
module attributes {stable_mosaic.version = 14 : i64} {
  func.func @_sc_degree(%arg0: i32, %arg1: i32, %arg2: memref<2560x128xi32, #tpu.memory_space<hbm>>, %arg3: memref<32x10240xf32, #tpu.memory_space<hbm>>, %arg4: memref<80x128xi32, #tpu.memory_space<vmem>>, %arg5: memref<10240xf32, #tpu.memory_space<vmem>>) attributes {dimension_semantics = [#tpu.dimension_semantics<core_parallel>, #tpu.dimension_semantics<subcore_parallel>], iteration_bounds = array<i64: 2, 16>, scalar_prefetch = 0 : i64, scratch_operands = 2 : i64, tpu.core_type = #tpu.core_type<sc_vector_subcore>, window_params = [{transform_indices = #map}, {transform_indices = #map}]} {
    %mul3A = arith.constant 16 : i32
    %mul3A_0 = arith.muli %arg0, %mul3A : i32
    %add3A = arith.addi %mul3A_0, %arg1 : i32
    %mul3A_1 = arith.constant 80 : i32
    %mul3A_2 = arith.muli %add3A, %mul3A_1 : i32
    "tpu.region"() ({
      %run_scoped3A = tpu.sem_alloc : memref<!tpu.dma_semaphore, #tpu.memory_space<semaphore_mem>>
      %dma_start3A = arith.constant 0 : i32
      %dma_start3A_17 = tpu.memref_slice %arg2[%mul3A_2, %dma_start3A] : memref<2560x128xi32, #tpu.memory_space<hbm>> -> memref<80x128xi32, #tpu.memory_space<hbm>>
      %dma_start3A_18 = arith.constant 0 : i32
      %dma_start3A_19 = tpu.memref_slice %arg2[%mul3A_2, %dma_start3A_18] : memref<2560x128xi32, #tpu.memory_space<hbm>> -> memref<80x128xi32, #tpu.memory_space<hbm>>
      tpu.enqueue_dma source(%dma_start3A_19 : memref<80x128xi32, #tpu.memory_space<hbm>>) target(%arg4 : memref<80x128xi32, #tpu.memory_space<vmem>>) target_semaphore(%run_scoped3A : memref<!tpu.dma_semaphore, #tpu.memory_space<semaphore_mem>>)
      %dma_wait3A = arith.constant 0 : i32
      %dma_wait3A_20 = tpu.memref_slice %arg2[%mul3A_2, %dma_wait3A] : memref<2560x128xi32, #tpu.memory_space<hbm>> -> memref<80x128xi32, #tpu.memory_space<hbm>>
      %dma_wait3A_21 = arith.constant 0 : i32
      %dma_wait3A_22 = tpu.memref_slice %arg2[%mul3A_2, %dma_wait3A_21] : memref<2560x128xi32, #tpu.memory_space<hbm>> -> memref<80x128xi32, #tpu.memory_space<hbm>>
      tpu.wait_dma2 semaphore(%run_scoped3A : memref<!tpu.dma_semaphore, #tpu.memory_space<semaphore_mem>>) src(%dma_wait3A_22 : memref<80x128xi32, #tpu.memory_space<hbm>>) dst(%arg4 : memref<80x128xi32, #tpu.memory_space<vmem>>)
      tpu.yield
    }) : () -> ()
    %broadcast_in_dim3A = arith.constant 0.000000e+00 : f32
    %broadcast_in_dim3A_3 = vector.broadcast %broadcast_in_dim3A : f32 to vector<16xf32>
    %scan3A = arith.constant 0 : i32
    %scan3A_4 = arith.constant 0 : i32
    %scan3A_5 = arith.constant 640 : i32
    %scan3A_6 = arith.addi %scan3A_4, %scan3A_5 : i32
    %scan3A_7 = arith.constant 1 : i32
    scf.for %scan3A_17 = %scan3A_4 to %scan3A_6 step %scan3A_7  : i32 {
      %mul3A_18 = arith.constant 16 : i32
      %mul3A_19 = arith.muli %scan3A_17, %mul3A_18 : i32
      %swap3A = arith.index_cast %mul3A_19 : i32 to index
      %swap3A_20 = tpu.vector_load %arg5[%swap3A] {strides = array<i32>} : memref<10240xf32, #tpu.memory_space<vmem>>, vector<16xf32>,
      tpu.vector_store %arg5[%swap3A], %broadcast_in_dim3A_3 {strides = array<i32>} : memref<10240xf32, #tpu.memory_space<vmem>>, vector<16xf32>,
    }
    %scan3A_8 = arith.constant 640 : i32
    %broadcast_in_dim3A_9 = arith.constant 1.000000e+00 : f32
    %broadcast_in_dim3A_10 = vector.broadcast %broadcast_in_dim3A_9 : f32 to vector<16xf32>
    %scan3A_11 = arith.constant 0 : i32
    %scan3A_12 = arith.constant 0 : i32
    %scan3A_13 = arith.constant 80 : i32
    %scan3A_14 = arith.addi %scan3A_12, %scan3A_13 : i32
    %scan3A_15 = arith.constant 1 : i32
    scf.for %scan3A_17 = %scan3A_12 to %scan3A_14 step %scan3A_15  : i32 {
      %get3A = arith.index_cast %scan3A_17 : i32 to index
      %get3A_18 = arith.constant 0 : index
      %get3A_19 = tpu.vector_load %arg4[%get3A, %get3A_18] {strides = array<i32>} : memref<80x128xi32, #tpu.memory_space<vmem>>, vector<16xi32>,
      tpu.vector_store_idx %arg5[%get3A_19], %broadcast_in_dim3A_10 {add = true} : memref<10240xf32, #tpu.memory_space<vmem>>[vector<16xi32>], vector<16xf32>,
      %get3A_20 = arith.index_cast %scan3A_17 : i32 to index
      %get3A_21 = arith.constant 16 : index
      %get3A_22 = tpu.vector_load %arg4[%get3A_20, %get3A_21] {strides = array<i32>} : memref<80x128xi32, #tpu.memory_space<vmem>>, vector<16xi32>,
      tpu.vector_store_idx %arg5[%get3A_22], %broadcast_in_dim3A_10 {add = true} : memref<10240xf32, #tpu.memory_space<vmem>>[vector<16xi32>], vector<16xf32>,
      %get3A_23 = arith.index_cast %scan3A_17 : i32 to index
      %get3A_24 = arith.constant 32 : index
      %get3A_25 = tpu.vector_load %arg4[%get3A_23, %get3A_24] {strides = array<i32>} : memref<80x128xi32, #tpu.memory_space<vmem>>, vector<16xi32>,
      tpu.vector_store_idx %arg5[%get3A_25], %broadcast_in_dim3A_10 {add = true} : memref<10240xf32, #tpu.memory_space<vmem>>[vector<16xi32>], vector<16xf32>,
      %get3A_26 = arith.index_cast %scan3A_17 : i32 to index
      %get3A_27 = arith.constant 48 : index
      %get3A_28 = tpu.vector_load %arg4[%get3A_26, %get3A_27] {strides = array<i32>} : memref<80x128xi32, #tpu.memory_space<vmem>>, vector<16xi32>,
      tpu.vector_store_idx %arg5[%get3A_28], %broadcast_in_dim3A_10 {add = true} : memref<10240xf32, #tpu.memory_space<vmem>>[vector<16xi32>], vector<16xf32>,
      %get3A_29 = arith.index_cast %scan3A_17 : i32 to index
      %get3A_30 = arith.constant 64 : index
      %get3A_31 = tpu.vector_load %arg4[%get3A_29, %get3A_30] {strides = array<i32>} : memref<80x128xi32, #tpu.memory_space<vmem>>, vector<16xi32>,
      tpu.vector_store_idx %arg5[%get3A_31], %broadcast_in_dim3A_10 {add = true} : memref<10240xf32, #tpu.memory_space<vmem>>[vector<16xi32>], vector<16xf32>,
      %get3A_32 = arith.index_cast %scan3A_17 : i32 to index
      %get3A_33 = arith.constant 80 : index
      %get3A_34 = tpu.vector_load %arg4[%get3A_32, %get3A_33] {strides = array<i32>} : memref<80x128xi32, #tpu.memory_space<vmem>>, vector<16xi32>,
      tpu.vector_store_idx %arg5[%get3A_34], %broadcast_in_dim3A_10 {add = true} : memref<10240xf32, #tpu.memory_space<vmem>>[vector<16xi32>], vector<16xf32>,
      %get3A_35 = arith.index_cast %scan3A_17 : i32 to index
      %get3A_36 = arith.constant 96 : index
      %get3A_37 = tpu.vector_load %arg4[%get3A_35, %get3A_36] {strides = array<i32>} : memref<80x128xi32, #tpu.memory_space<vmem>>, vector<16xi32>,
      tpu.vector_store_idx %arg5[%get3A_37], %broadcast_in_dim3A_10 {add = true} : memref<10240xf32, #tpu.memory_space<vmem>>[vector<16xi32>], vector<16xf32>,
      %get3A_38 = arith.index_cast %scan3A_17 : i32 to index
      %get3A_39 = arith.constant 112 : index
      %get3A_40 = tpu.vector_load %arg4[%get3A_38, %get3A_39] {strides = array<i32>} : memref<80x128xi32, #tpu.memory_space<vmem>>, vector<16xi32>,
      tpu.vector_store_idx %arg5[%get3A_40], %broadcast_in_dim3A_10 {add = true} : memref<10240xf32, #tpu.memory_space<vmem>>[vector<16xi32>], vector<16xf32>,
    }
    %scan3A_16 = arith.constant 80 : i32
    "tpu.region"() ({
      %run_scoped3A = tpu.sem_alloc : memref<!tpu.dma_semaphore, #tpu.memory_space<semaphore_mem>>
      %dma_start3A = arith.constant 0 : i32
      %dma_start3A_17 = tpu.memref_slice %arg3[%add3A, %dma_start3A] : memref<32x10240xf32, #tpu.memory_space<hbm>> -> memref<1x10240xf32, #tpu.memory_space<hbm>>
      %dma_start3A_18 = tpu.memref_squeeze %dma_start3A_17 : memref<1x10240xf32, #tpu.memory_space<hbm>> -> memref<10240xf32, #tpu.memory_space<hbm>>
      %dma_start3A_19 = arith.constant 0 : i32
      %dma_start3A_20 = tpu.memref_slice %arg3[%add3A, %dma_start3A_19] : memref<32x10240xf32, #tpu.memory_space<hbm>> -> memref<1x10240xf32, #tpu.memory_space<hbm>>
      %dma_start3A_21 = tpu.memref_squeeze %dma_start3A_20 : memref<1x10240xf32, #tpu.memory_space<hbm>> -> memref<10240xf32, #tpu.memory_space<hbm>>
      tpu.enqueue_dma source(%arg5 : memref<10240xf32, #tpu.memory_space<vmem>>) target(%dma_start3A_21 : memref<10240xf32, #tpu.memory_space<hbm>>) target_semaphore(%run_scoped3A : memref<!tpu.dma_semaphore, #tpu.memory_space<semaphore_mem>>)
      %dma_wait3A = arith.constant 0 : i32
      %dma_wait3A_22 = tpu.memref_slice %arg3[%add3A, %dma_wait3A] : memref<32x10240xf32, #tpu.memory_space<hbm>> -> memref<1x10240xf32, #tpu.memory_space<hbm>>
      %dma_wait3A_23 = tpu.memref_squeeze %dma_wait3A_22 : memref<1x10240xf32, #tpu.memory_space<hbm>> -> memref<10240xf32, #tpu.memory_space<hbm>>
      %dma_wait3A_24 = arith.constant 0 : i32
      %dma_wait3A_25 = tpu.memref_slice %arg3[%add3A, %dma_wait3A_24] : memref<32x10240xf32, #tpu.memory_space<hbm>> -> memref<1x10240xf32, #tpu.memory_space<hbm>>
      %dma_wait3A_26 = tpu.memref_squeeze %dma_wait3A_25 : memref<1x10240xf32, #tpu.memory_space<hbm>> -> memref<10240xf32, #tpu.memory_space<hbm>>
      tpu.wait_dma2 semaphore(%run_scoped3A : memref<!tpu.dma_semaphore, #tpu.memory_space<semaphore_mem>>) src(%arg5 : memref<10240xf32, #tpu.memory_space<vmem>>) dst(%dma_wait3A_26 : memref<10240xf32, #tpu.memory_space<hbm>>)
      tpu.yield
    }) : () -> ()
    return
  }
}

#map = affine_map<(d0, d1) -> (0, 0)>
#map1 = affine_map<(d0, d1) -> (0, 0, 0)>
module attributes {stable_mosaic.version = 14 : i64} {
  func.func @_sc_prop_l1(%arg0: i32, %arg1: i32, %arg2: memref<10240x64xf32, #tpu.memory_space<hbm>>, %arg3: memref<10240x64xf32, #tpu.memory_space<hbm>>, %arg4: memref<2560x128xi32, #tpu.memory_space<hbm>>, %arg5: memref<2560x128xi32, #tpu.memory_space<hbm>>, %arg6: memref<2x10240x64xf32, #tpu.memory_space<hbm>>, %arg7: memref<80x128xi32, #tpu.memory_space<vmem>>, %arg8: memref<80x128xi32, #tpu.memory_space<vmem>>, %arg9: memref<128x64xf32, #tpu.memory_space<vmem>>, %arg10: memref<128x64xf32, #tpu.memory_space<vmem>>, %arg11: memref<10240x64xf32, #tpu.memory_space<vmem_shared>>, %arg12: memref<10240x64xf32, #tpu.memory_space<vmem_shared>>, %arg13: memref<!tpu.dma_semaphore, #tpu.memory_space<semaphore_mem>>, %arg14: memref<!tpu.dma_semaphore, #tpu.memory_space<semaphore_mem>>) attributes {dimension_semantics = [#tpu.dimension_semantics<core_parallel>, #tpu.dimension_semantics<subcore_parallel>], iteration_bounds = array<i64: 2, 16>, scalar_prefetch = 0 : i64, scratch_operands = 8 : i64, tpu.core_type = #tpu.core_type<sc_vector_subcore>, window_params = [{transform_indices = #map}, {transform_indices = #map}, {transform_indices = #map}, {transform_indices = #map}, {transform_indices = #map1}]} {
    %mul3A = arith.constant 640 : i32
    %mul3A_0 = arith.muli %arg1, %mul3A : i32
    %eq3A = arith.constant 0 : i32
    %eq3A_1 = arith.cmpi eq, %arg0, %eq3A : i32
    %convert_element_type3A = arith.extui %eq3A_1 : i1 to i32
    %cond3A = arith.constant 0 : i32
    %cond3A_2 = arith.cmpi ne, %convert_element_type3A, %cond3A : i32
    scf.if %cond3A_2 {
      "tpu.region"() ({
        %run_scoped3A = tpu.sem_alloc : memref<!tpu.dma_semaphore, #tpu.memory_space<semaphore_mem>>
        %dma_start3A_55 = arith.constant 0 : i32
        %dma_start3A_56 = tpu.memref_slice %arg12[%mul3A_0, %dma_start3A_55] : memref<10240x64xf32, #tpu.memory_space<vmem_shared>> -> memref<640x64xf32, #tpu.memory_space<vmem_shared>>
        %dma_start3A_57 = arith.constant 0 : i32
        %dma_start3A_58 = tpu.memref_slice %arg2[%mul3A_0, %dma_start3A_57] : memref<10240x64xf32, #tpu.memory_space<hbm>> -> memref<640x64xf32, #tpu.memory_space<hbm>>
        tpu.enqueue_dma source(%dma_start3A_58 : memref<640x64xf32, #tpu.memory_space<hbm>>) target(%dma_start3A_56 : memref<640x64xf32, #tpu.memory_space<vmem_shared>>) target_semaphore(%run_scoped3A : memref<!tpu.dma_semaphore, #tpu.memory_space<semaphore_mem>>)
        %dma_wait3A = arith.constant 0 : i32
        %dma_wait3A_59 = tpu.memref_slice %arg12[%mul3A_0, %dma_wait3A] : memref<10240x64xf32, #tpu.memory_space<vmem_shared>> -> memref<640x64xf32, #tpu.memory_space<vmem_shared>>
        %dma_wait3A_60 = arith.constant 0 : i32
        %dma_wait3A_61 = tpu.memref_slice %arg2[%mul3A_0, %dma_wait3A_60] : memref<10240x64xf32, #tpu.memory_space<hbm>> -> memref<640x64xf32, #tpu.memory_space<hbm>>
        tpu.wait_dma2 semaphore(%run_scoped3A : memref<!tpu.dma_semaphore, #tpu.memory_space<semaphore_mem>>) src(%dma_wait3A_61 : memref<640x64xf32, #tpu.memory_space<hbm>>) dst(%dma_wait3A_59 : memref<640x64xf32, #tpu.memory_space<vmem_shared>>)
        tpu.yield
      }) : () -> ()
      "tpu.region"() ({
        %run_scoped3A = tpu.sem_alloc : memref<!tpu.dma_semaphore, #tpu.memory_space<semaphore_mem>>
        %dma_start3A_55 = arith.constant 0 : i32
        %dma_start3A_56 = tpu.memref_slice %arg11[%mul3A_0, %dma_start3A_55] : memref<10240x64xf32, #tpu.memory_space<vmem_shared>> -> memref<640x64xf32, #tpu.memory_space<vmem_shared>>
        %dma_start3A_57 = arith.constant 0 : i32
        %dma_start3A_58 = tpu.memref_slice %arg2[%mul3A_0, %dma_start3A_57] : memref<10240x64xf32, #tpu.memory_space<hbm>> -> memref<640x64xf32, #tpu.memory_space<hbm>>
        tpu.enqueue_dma source(%dma_start3A_58 : memref<640x64xf32, #tpu.memory_space<hbm>>) target(%dma_start3A_56 : memref<640x64xf32, #tpu.memory_space<vmem_shared>>) target_semaphore(%run_scoped3A : memref<!tpu.dma_semaphore, #tpu.memory_space<semaphore_mem>>)
        %dma_wait3A = arith.constant 0 : i32
        %dma_wait3A_59 = tpu.memref_slice %arg11[%mul3A_0, %dma_wait3A] : memref<10240x64xf32, #tpu.memory_space<vmem_shared>> -> memref<640x64xf32, #tpu.memory_space<vmem_shared>>
        %dma_wait3A_60 = arith.constant 0 : i32
        %dma_wait3A_61 = tpu.memref_slice %arg2[%mul3A_0, %dma_wait3A_60] : memref<10240x64xf32, #tpu.memory_space<hbm>> -> memref<640x64xf32, #tpu.memory_space<hbm>>
        tpu.wait_dma2 semaphore(%run_scoped3A : memref<!tpu.dma_semaphore, #tpu.memory_space<semaphore_mem>>) src(%dma_wait3A_61 : memref<640x64xf32, #tpu.memory_space<hbm>>) dst(%dma_wait3A_59 : memref<640x64xf32, #tpu.memory_space<vmem_shared>>)
        tpu.yield
      }) : () -> ()
    } else {
    }
    %ne3A = arith.constant 0 : i32
    %ne3A_3 = arith.cmpi ne, %arg0, %ne3A : i32
    %convert_element_type3A_4 = arith.extui %ne3A_3 : i1 to i32
    %cond3A_5 = arith.constant 0 : i32
    %cond3A_6 = arith.cmpi ne, %convert_element_type3A_4, %cond3A_5 : i32
    scf.if %cond3A_6 {
      "tpu.region"() ({
        %run_scoped3A = tpu.sem_alloc : memref<!tpu.dma_semaphore, #tpu.memory_space<semaphore_mem>>
        %dma_start3A_55 = arith.constant 0 : i32
        %dma_start3A_56 = tpu.memref_slice %arg12[%mul3A_0, %dma_start3A_55] : memref<10240x64xf32, #tpu.memory_space<vmem_shared>> -> memref<640x64xf32, #tpu.memory_space<vmem_shared>>
        %dma_start3A_57 = arith.constant 0 : i32
        %dma_start3A_58 = tpu.memref_slice %arg3[%mul3A_0, %dma_start3A_57] : memref<10240x64xf32, #tpu.memory_space<hbm>> -> memref<640x64xf32, #tpu.memory_space<hbm>>
        tpu.enqueue_dma source(%dma_start3A_58 : memref<640x64xf32, #tpu.memory_space<hbm>>) target(%dma_start3A_56 : memref<640x64xf32, #tpu.memory_space<vmem_shared>>) target_semaphore(%run_scoped3A : memref<!tpu.dma_semaphore, #tpu.memory_space<semaphore_mem>>)
        %dma_wait3A = arith.constant 0 : i32
        %dma_wait3A_59 = tpu.memref_slice %arg12[%mul3A_0, %dma_wait3A] : memref<10240x64xf32, #tpu.memory_space<vmem_shared>> -> memref<640x64xf32, #tpu.memory_space<vmem_shared>>
        %dma_wait3A_60 = arith.constant 0 : i32
        %dma_wait3A_61 = tpu.memref_slice %arg3[%mul3A_0, %dma_wait3A_60] : memref<10240x64xf32, #tpu.memory_space<hbm>> -> memref<640x64xf32, #tpu.memory_space<hbm>>
        tpu.wait_dma2 semaphore(%run_scoped3A : memref<!tpu.dma_semaphore, #tpu.memory_space<semaphore_mem>>) src(%dma_wait3A_61 : memref<640x64xf32, #tpu.memory_space<hbm>>) dst(%dma_wait3A_59 : memref<640x64xf32, #tpu.memory_space<vmem_shared>>)
        tpu.yield
      }) : () -> ()
      "tpu.region"() ({
        %run_scoped3A = tpu.sem_alloc : memref<!tpu.dma_semaphore, #tpu.memory_space<semaphore_mem>>
        %dma_start3A_55 = arith.constant 0 : i32
        %dma_start3A_56 = tpu.memref_slice %arg11[%mul3A_0, %dma_start3A_55] : memref<10240x64xf32, #tpu.memory_space<vmem_shared>> -> memref<640x64xf32, #tpu.memory_space<vmem_shared>>
        %dma_start3A_57 = arith.constant 0 : i32
        %dma_start3A_58 = tpu.memref_slice %arg3[%mul3A_0, %dma_start3A_57] : memref<10240x64xf32, #tpu.memory_space<hbm>> -> memref<640x64xf32, #tpu.memory_space<hbm>>
        tpu.enqueue_dma source(%dma_start3A_58 : memref<640x64xf32, #tpu.memory_space<hbm>>) target(%dma_start3A_56 : memref<640x64xf32, #tpu.memory_space<vmem_shared>>) target_semaphore(%run_scoped3A : memref<!tpu.dma_semaphore, #tpu.memory_space<semaphore_mem>>)
        %dma_wait3A = arith.constant 0 : i32
        %dma_wait3A_59 = tpu.memref_slice %arg11[%mul3A_0, %dma_wait3A] : memref<10240x64xf32, #tpu.memory_space<vmem_shared>> -> memref<640x64xf32, #tpu.memory_space<vmem_shared>>
        %dma_wait3A_60 = arith.constant 0 : i32
        %dma_wait3A_61 = tpu.memref_slice %arg3[%mul3A_0, %dma_wait3A_60] : memref<10240x64xf32, #tpu.memory_space<hbm>> -> memref<640x64xf32, #tpu.memory_space<hbm>>
        tpu.wait_dma2 semaphore(%run_scoped3A : memref<!tpu.dma_semaphore, #tpu.memory_space<semaphore_mem>>) src(%dma_wait3A_61 : memref<640x64xf32, #tpu.memory_space<hbm>>) dst(%dma_wait3A_59 : memref<640x64xf32, #tpu.memory_space<vmem_shared>>)
        tpu.yield
      }) : () -> ()
    } else {
    }
    %barrier3A = arith.constant 0 : index
    tpu.barrier barrier_id(%barrier3A)
    %mul3A_7 = arith.constant 160 : i32
    %mul3A_8 = arith.muli %arg1, %mul3A_7 : i32
    %add3A = arith.constant 0 : i32
    %add3A_9 = arith.addi %mul3A_8, %add3A : i32
    "tpu.region"() ({
      %run_scoped3A = tpu.sem_alloc : memref<!tpu.dma_semaphore, #tpu.memory_space<semaphore_mem>>
      %dma_start3A_55 = arith.constant 0 : i32
      %dma_start3A_56 = tpu.memref_slice %arg4[%add3A_9, %dma_start3A_55] : memref<2560x128xi32, #tpu.memory_space<hbm>> -> memref<80x128xi32, #tpu.memory_space<hbm>>
      %dma_start3A_57 = arith.constant 0 : i32
      %dma_start3A_58 = tpu.memref_slice %arg4[%add3A_9, %dma_start3A_57] : memref<2560x128xi32, #tpu.memory_space<hbm>> -> memref<80x128xi32, #tpu.memory_space<hbm>>
      tpu.enqueue_dma source(%dma_start3A_58 : memref<80x128xi32, #tpu.memory_space<hbm>>) target(%arg7 : memref<80x128xi32, #tpu.memory_space<vmem>>) target_semaphore(%run_scoped3A : memref<!tpu.dma_semaphore, #tpu.memory_space<semaphore_mem>>)
      %dma_wait3A = arith.constant 0 : i32
      %dma_wait3A_59 = tpu.memref_slice %arg4[%add3A_9, %dma_wait3A] : memref<2560x128xi32, #tpu.memory_space<hbm>> -> memref<80x128xi32, #tpu.memory_space<hbm>>
      %dma_wait3A_60 = arith.constant 0 : i32
      %dma_wait3A_61 = tpu.memref_slice %arg4[%add3A_9, %dma_wait3A_60] : memref<2560x128xi32, #tpu.memory_space<hbm>> -> memref<80x128xi32, #tpu.memory_space<hbm>>
      tpu.wait_dma2 semaphore(%run_scoped3A : memref<!tpu.dma_semaphore, #tpu.memory_space<semaphore_mem>>) src(%dma_wait3A_61 : memref<80x128xi32, #tpu.memory_space<hbm>>) dst(%arg7 : memref<80x128xi32, #tpu.memory_space<vmem>>)
      tpu.yield
    }) : () -> ()
    %add3A_10 = arith.constant 0 : i32
    %add3A_11 = arith.addi %mul3A_8, %add3A_10 : i32
    "tpu.region"() ({
      %run_scoped3A = tpu.sem_alloc : memref<!tpu.dma_semaphore, #tpu.memory_space<semaphore_mem>>
      %dma_start3A_55 = arith.constant 0 : i32
      %dma_start3A_56 = tpu.memref_slice %arg5[%add3A_11, %dma_start3A_55] : memref<2560x128xi32, #tpu.memory_space<hbm>> -> memref<80x128xi32, #tpu.memory_space<hbm>>
      %dma_start3A_57 = arith.constant 0 : i32
      %dma_start3A_58 = tpu.memref_slice %arg5[%add3A_11, %dma_start3A_57] : memref<2560x128xi32, #tpu.memory_space<hbm>> -> memref<80x128xi32, #tpu.memory_space<hbm>>
      tpu.enqueue_dma source(%dma_start3A_58 : memref<80x128xi32, #tpu.memory_space<hbm>>) target(%arg8 : memref<80x128xi32, #tpu.memory_space<vmem>>) target_semaphore(%run_scoped3A : memref<!tpu.dma_semaphore, #tpu.memory_space<semaphore_mem>>)
      %dma_wait3A = arith.constant 0 : i32
      %dma_wait3A_59 = tpu.memref_slice %arg5[%add3A_11, %dma_wait3A] : memref<2560x128xi32, #tpu.memory_space<hbm>> -> memref<80x128xi32, #tpu.memory_space<hbm>>
      %dma_wait3A_60 = arith.constant 0 : i32
      %dma_wait3A_61 = tpu.memref_slice %arg5[%add3A_11, %dma_wait3A_60] : memref<2560x128xi32, #tpu.memory_space<hbm>> -> memref<80x128xi32, #tpu.memory_space<hbm>>
      tpu.wait_dma2 semaphore(%run_scoped3A : memref<!tpu.dma_semaphore, #tpu.memory_space<semaphore_mem>>) src(%dma_wait3A_61 : memref<80x128xi32, #tpu.memory_space<hbm>>) dst(%arg8 : memref<80x128xi32, #tpu.memory_space<vmem>>)
      tpu.yield
    }) : () -> ()
    %dma_start3A = arith.constant 0 : i32
    %dma_start3A_12 = arith.constant 0 : i32
    %dma_start3A_13 = tpu.memref_slice %arg7[%dma_start3A, %dma_start3A_12] : memref<80x128xi32, #tpu.memory_space<vmem>> -> memref<1x128xi32, #tpu.memory_space<vmem>>
    %dma_start3A_14 = tpu.memref_squeeze %dma_start3A_13 : memref<1x128xi32, #tpu.memory_space<vmem>> -> memref<128xi32, #tpu.memory_space<vmem>>
    %dma_start3A_15 = arith.constant 0 : i32
    %dma_start3A_16 = arith.constant 0 : i32
    %dma_start3A_17 = tpu.memref_slice %arg12[%dma_start3A_15, %dma_start3A_16] : memref<10240x64xf32, #tpu.memory_space<vmem_shared>> -> memref<10240x64xf32, #tpu.memory_space<vmem_shared>>
    tpu.enqueue_indirect_dma source(%dma_start3A_17 : memref<10240x64xf32, #tpu.memory_space<vmem_shared>>) target(%arg9 : memref<128x64xf32, #tpu.memory_space<vmem>>) offsets(%dma_start3A_14 : memref<128xi32, #tpu.memory_space<vmem>>) semaphore(%arg13 : memref<!tpu.dma_semaphore, #tpu.memory_space<semaphore_mem>>)
    %dma_start3A_18 = arith.constant 1 : i32
    %dma_start3A_19 = arith.constant 0 : i32
    %dma_start3A_20 = tpu.memref_slice %arg7[%dma_start3A_18, %dma_start3A_19] : memref<80x128xi32, #tpu.memory_space<vmem>> -> memref<1x128xi32, #tpu.memory_space<vmem>>
    %dma_start3A_21 = tpu.memref_squeeze %dma_start3A_20 : memref<1x128xi32, #tpu.memory_space<vmem>> -> memref<128xi32, #tpu.memory_space<vmem>>
    %dma_start3A_22 = arith.constant 0 : i32
    %dma_start3A_23 = arith.constant 0 : i32
    %dma_start3A_24 = tpu.memref_slice %arg12[%dma_start3A_22, %dma_start3A_23] : memref<10240x64xf32, #tpu.memory_space<vmem_shared>> -> memref<10240x64xf32, #tpu.memory_space<vmem_shared>>
    tpu.enqueue_indirect_dma source(%dma_start3A_24 : memref<10240x64xf32, #tpu.memory_space<vmem_shared>>) target(%arg10 : memref<128x64xf32, #tpu.memory_space<vmem>>) offsets(%dma_start3A_21 : memref<128xi32, #tpu.memory_space<vmem>>) semaphore(%arg14 : memref<!tpu.dma_semaphore, #tpu.memory_space<semaphore_mem>>)
    %scan3A = arith.constant 0 : i32
    %scan3A_25 = arith.constant 0 : i32
    %scan3A_26 = arith.constant 40 : i32
    %scan3A_27 = arith.addi %scan3A_25, %scan3A_26 : i32
    %scan3A_28 = arith.constant 1 : i32
    scf.for %scan3A_55 = %scan3A_25 to %scan3A_27 step %scan3A_28  : i32 {
      %mul3A_56 = arith.constant 2 : i32
      %mul3A_57 = arith.muli %scan3A_55, %mul3A_56 : i32
      %add3A_58 = arith.constant 0 : i32
      %add3A_59 = arith.addi %mul3A_57, %add3A_58 : i32
      %dma_wait3A = arith.constant 0 : i32
      %dma_wait3A_60 = tpu.memref_slice %arg7[%add3A_59, %dma_wait3A] : memref<80x128xi32, #tpu.memory_space<vmem>> -> memref<1x128xi32, #tpu.memory_space<vmem>>
      %dma_wait3A_61 = tpu.memref_squeeze %dma_wait3A_60 : memref<1x128xi32, #tpu.memory_space<vmem>> -> memref<128xi32, #tpu.memory_space<vmem>>
      %dma_wait3A_62 = arith.constant 0 : i32
      %dma_wait3A_63 = arith.constant 0 : i32
      %dma_wait3A_64 = tpu.memref_slice %arg12[%dma_wait3A_62, %dma_wait3A_63] : memref<10240x64xf32, #tpu.memory_space<vmem_shared>> -> memref<10240x64xf32, #tpu.memory_space<vmem_shared>>
      tpu.wait_indirect_dma semaphore(%arg13 : memref<!tpu.dma_semaphore, #tpu.memory_space<semaphore_mem>>) src(%dma_wait3A_64 : memref<10240x64xf32, #tpu.memory_space<vmem_shared>>) dst(%arg9 : memref<128x64xf32, #tpu.memory_space<vmem>>)
      %add3A_65 = arith.constant 0 : i32
      %add3A_66 = arith.addi %mul3A_57, %add3A_65 : i32
      "tpu.region"() ({
        %run_scoped3A = tpu.sem_alloc : memref<!tpu.dma_semaphore, #tpu.memory_space<semaphore_mem>>
        %dma_start3A_94 = arith.constant 0 : i32
        %dma_start3A_95 = tpu.memref_slice %arg8[%add3A_66, %dma_start3A_94] : memref<80x128xi32, #tpu.memory_space<vmem>> -> memref<1x128xi32, #tpu.memory_space<vmem>>
        %dma_start3A_96 = tpu.memref_squeeze %dma_start3A_95 : memref<1x128xi32, #tpu.memory_space<vmem>> -> memref<128xi32, #tpu.memory_space<vmem>>
        %dma_start3A_97 = arith.constant 0 : i32
        %dma_start3A_98 = arith.constant 0 : i32
        %dma_start3A_99 = tpu.memref_slice %arg11[%dma_start3A_97, %dma_start3A_98] : memref<10240x64xf32, #tpu.memory_space<vmem_shared>> -> memref<10240x64xf32, #tpu.memory_space<vmem_shared>>
        tpu.enqueue_indirect_dma source(%arg9 : memref<128x64xf32, #tpu.memory_space<vmem>>) target(%dma_start3A_99 : memref<10240x64xf32, #tpu.memory_space<vmem_shared>>) offsets(%dma_start3A_96 : memref<128xi32, #tpu.memory_space<vmem>>) semaphore(%run_scoped3A : memref<!tpu.dma_semaphore, #tpu.memory_space<semaphore_mem>>) {add = true}
        %dma_wait3A_100 = arith.constant 0 : i32
        %dma_wait3A_101 = tpu.memref_slice %arg8[%add3A_66, %dma_wait3A_100] : memref<80x128xi32, #tpu.memory_space<vmem>> -> memref<1x128xi32, #tpu.memory_space<vmem>>
        %dma_wait3A_102 = tpu.memref_squeeze %dma_wait3A_101 : memref<1x128xi32, #tpu.memory_space<vmem>> -> memref<128xi32, #tpu.memory_space<vmem>>
        %dma_wait3A_103 = arith.constant 0 : i32
        %dma_wait3A_104 = arith.constant 0 : i32
        %dma_wait3A_105 = tpu.memref_slice %arg11[%dma_wait3A_103, %dma_wait3A_104] : memref<10240x64xf32, #tpu.memory_space<vmem_shared>> -> memref<10240x64xf32, #tpu.memory_space<vmem_shared>>
        tpu.wait_indirect_dma semaphore(%run_scoped3A : memref<!tpu.dma_semaphore, #tpu.memory_space<semaphore_mem>>) src(%arg9 : memref<128x64xf32, #tpu.memory_space<vmem>>) dst(%dma_wait3A_105 : memref<10240x64xf32, #tpu.memory_space<vmem_shared>>)
        tpu.yield
      }) : () -> ()
      %add3A_67 = arith.constant 0 : i32
      %add3A_68 = arith.addi %mul3A_57, %add3A_67 : i32
      %add3A_69 = arith.constant 2 : i32
      %add3A_70 = arith.addi %add3A_68, %add3A_69 : i32
      %lt3A = arith.constant 80 : i32
      %lt3A_71 = arith.cmpi slt, %add3A_70, %lt3A : i32
      %convert_element_type3A_72 = arith.extui %lt3A_71 : i1 to i32
      %cond3A_73 = arith.constant 0 : i32
      %cond3A_74 = arith.cmpi ne, %convert_element_type3A_72, %cond3A_73 : i32
      scf.if %cond3A_74 {
        %add3A_94 = arith.constant 0 : i32
        %add3A_95 = arith.addi %mul3A_57, %add3A_94 : i32
        %add3A_96 = arith.constant 2 : i32
        %add3A_97 = arith.addi %add3A_95, %add3A_96 : i32
        %dma_start3A_98 = arith.constant 0 : i32
        %dma_start3A_99 = tpu.memref_slice %arg7[%add3A_97, %dma_start3A_98] : memref<80x128xi32, #tpu.memory_space<vmem>> -> memref<1x128xi32, #tpu.memory_space<vmem>>
        %dma_start3A_100 = tpu.memref_squeeze %dma_start3A_99 : memref<1x128xi32, #tpu.memory_space<vmem>> -> memref<128xi32, #tpu.memory_space<vmem>>
        %dma_start3A_101 = arith.constant 0 : i32
        %dma_start3A_102 = arith.constant 0 : i32
        %dma_start3A_103 = tpu.memref_slice %arg12[%dma_start3A_101, %dma_start3A_102] : memref<10240x64xf32, #tpu.memory_space<vmem_shared>> -> memref<10240x64xf32, #tpu.memory_space<vmem_shared>>
        tpu.enqueue_indirect_dma source(%dma_start3A_103 : memref<10240x64xf32, #tpu.memory_space<vmem_shared>>) target(%arg9 : memref<128x64xf32, #tpu.memory_space<vmem>>) offsets(%dma_start3A_100 : memref<128xi32, #tpu.memory_space<vmem>>) semaphore(%arg13 : memref<!tpu.dma_semaphore, #tpu.memory_space<semaphore_mem>>)
      } else {
      }
      %add3A_75 = arith.constant 1 : i32
      %add3A_76 = arith.addi %mul3A_57, %add3A_75 : i32
      %dma_wait3A_77 = arith.constant 0 : i32
      %dma_wait3A_78 = tpu.memref_slice %arg7[%add3A_76, %dma_wait3A_77] : memref<80x128xi32, #tpu.memory_space<vmem>> -> memref<1x128xi32, #tpu.memory_space<vmem>>
      %dma_wait3A_79 = tpu.memref_squeeze %dma_wait3A_78 : memref<1x128xi32, #tpu.memory_space<vmem>> -> memref<128xi32, #tpu.memory_space<vmem>>
      %dma_wait3A_80 = arith.constant 0 : i32
      %dma_wait3A_81 = arith.constant 0 : i32
      %dma_wait3A_82 = tpu.memref_slice %arg12[%dma_wait3A_80, %dma_wait3A_81] : memref<10240x64xf32, #tpu.memory_space<vmem_shared>> -> memref<10240x64xf32, #tpu.memory_space<vmem_shared>>
      tpu.wait_indirect_dma semaphore(%arg14 : memref<!tpu.dma_semaphore, #tpu.memory_space<semaphore_mem>>) src(%dma_wait3A_82 : memref<10240x64xf32, #tpu.memory_space<vmem_shared>>) dst(%arg10 : memref<128x64xf32, #tpu.memory_space<vmem>>)
      %add3A_83 = arith.constant 1 : i32
      %add3A_84 = arith.addi %mul3A_57, %add3A_83 : i32
      "tpu.region"() ({
        %run_scoped3A = tpu.sem_alloc : memref<!tpu.dma_semaphore, #tpu.memory_space<semaphore_mem>>
        %dma_start3A_94 = arith.constant 0 : i32
        %dma_start3A_95 = tpu.memref_slice %arg8[%add3A_84, %dma_start3A_94] : memref<80x128xi32, #tpu.memory_space<vmem>> -> memref<1x128xi32, #tpu.memory_space<vmem>>
        %dma_start3A_96 = tpu.memref_squeeze %dma_start3A_95 : memref<1x128xi32, #tpu.memory_space<vmem>> -> memref<128xi32, #tpu.memory_space<vmem>>
        %dma_start3A_97 = arith.constant 0 : i32
        %dma_start3A_98 = arith.constant 0 : i32
        %dma_start3A_99 = tpu.memref_slice %arg11[%dma_start3A_97, %dma_start3A_98] : memref<10240x64xf32, #tpu.memory_space<vmem_shared>> -> memref<10240x64xf32, #tpu.memory_space<vmem_shared>>
        tpu.enqueue_indirect_dma source(%arg10 : memref<128x64xf32, #tpu.memory_space<vmem>>) target(%dma_start3A_99 : memref<10240x64xf32, #tpu.memory_space<vmem_shared>>) offsets(%dma_start3A_96 : memref<128xi32, #tpu.memory_space<vmem>>) semaphore(%run_scoped3A : memref<!tpu.dma_semaphore, #tpu.memory_space<semaphore_mem>>) {add = true}
        %dma_wait3A_100 = arith.constant 0 : i32
        %dma_wait3A_101 = tpu.memref_slice %arg8[%add3A_84, %dma_wait3A_100] : memref<80x128xi32, #tpu.memory_space<vmem>> -> memref<1x128xi32, #tpu.memory_space<vmem>>
        %dma_wait3A_102 = tpu.memref_squeeze %dma_wait3A_101 : memref<1x128xi32, #tpu.memory_space<vmem>> -> memref<128xi32, #tpu.memory_space<vmem>>
        %dma_wait3A_103 = arith.constant 0 : i32
        %dma_wait3A_104 = arith.constant 0 : i32
        %dma_wait3A_105 = tpu.memref_slice %arg11[%dma_wait3A_103, %dma_wait3A_104] : memref<10240x64xf32, #tpu.memory_space<vmem_shared>> -> memref<10240x64xf32, #tpu.memory_space<vmem_shared>>
        tpu.wait_indirect_dma semaphore(%run_scoped3A : memref<!tpu.dma_semaphore, #tpu.memory_space<semaphore_mem>>) src(%arg10 : memref<128x64xf32, #tpu.memory_space<vmem>>) dst(%dma_wait3A_105 : memref<10240x64xf32, #tpu.memory_space<vmem_shared>>)
        tpu.yield
      }) : () -> ()
      %add3A_85 = arith.constant 1 : i32
      %add3A_86 = arith.addi %mul3A_57, %add3A_85 : i32
      %add3A_87 = arith.constant 2 : i32
      %add3A_88 = arith.addi %add3A_86, %add3A_87 : i32
      %lt3A_89 = arith.constant 80 : i32
      %lt3A_90 = arith.cmpi slt, %add3A_88, %lt3A_89 : i32
      %convert_element_type3A_91 = arith.extui %lt3A_90 : i1 to i32
      %cond3A_92 = arith.constant 0 : i32
      %cond3A_93 = arith.cmpi ne, %convert_element_type3A_91, %cond3A_92 : i32
      scf.if %cond3A_93 {
        %add3A_94 = arith.constant 1 : i32
        %add3A_95 = arith.addi %mul3A_57, %add3A_94 : i32
        %add3A_96 = arith.constant 2 : i32
        %add3A_97 = arith.addi %add3A_95, %add3A_96 : i32
        %dma_start3A_98 = arith.constant 0 : i32
        %dma_start3A_99 = tpu.memref_slice %arg7[%add3A_97, %dma_start3A_98] : memref<80x128xi32, #tpu.memory_space<vmem>> -> memref<1x128xi32, #tpu.memory_space<vmem>>
        %dma_start3A_100 = tpu.memref_squeeze %dma_start3A_99 : memref<1x128xi32, #tpu.memory_space<vmem>> -> memref<128xi32, #tpu.memory_space<vmem>>
        %dma_start3A_101 = arith.constant 0 : i32
        %dma_start3A_102 = arith.constant 0 : i32
        %dma_start3A_103 = tpu.memref_slice %arg12[%dma_start3A_101, %dma_start3A_102] : memref<10240x64xf32, #tpu.memory_space<vmem_shared>> -> memref<10240x64xf32, #tpu.memory_space<vmem_shared>>
        tpu.enqueue_indirect_dma source(%dma_start3A_103 : memref<10240x64xf32, #tpu.memory_space<vmem_shared>>) target(%arg10 : memref<128x64xf32, #tpu.memory_space<vmem>>) offsets(%dma_start3A_100 : memref<128xi32, #tpu.memory_space<vmem>>) semaphore(%arg14 : memref<!tpu.dma_semaphore, #tpu.memory_space<semaphore_mem>>)
      } else {
      }
    }
    %scan3A_29 = arith.constant 40 : i32
    %add3A_30 = arith.constant 80 : i32
    %add3A_31 = arith.addi %mul3A_8, %add3A_30 : i32
    "tpu.region"() ({
      %run_scoped3A = tpu.sem_alloc : memref<!tpu.dma_semaphore, #tpu.memory_space<semaphore_mem>>
      %dma_start3A_55 = arith.constant 0 : i32
      %dma_start3A_56 = tpu.memref_slice %arg4[%add3A_31, %dma_start3A_55] : memref<2560x128xi32, #tpu.memory_space<hbm>> -> memref<80x128xi32, #tpu.memory_space<hbm>>
      %dma_start3A_57 = arith.constant 0 : i32
      %dma_start3A_58 = tpu.memref_slice %arg4[%add3A_31, %dma_start3A_57] : memref<2560x128xi32, #tpu.memory_space<hbm>> -> memref<80x128xi32, #tpu.memory_space<hbm>>
      tpu.enqueue_dma source(%dma_start3A_58 : memref<80x128xi32, #tpu.memory_space<hbm>>) target(%arg7 : memref<80x128xi32, #tpu.memory_space<vmem>>) target_semaphore(%run_scoped3A : memref<!tpu.dma_semaphore, #tpu.memory_space<semaphore_mem>>)
      %dma_wait3A = arith.constant 0 : i32
      %dma_wait3A_59 = tpu.memref_slice %arg4[%add3A_31, %dma_wait3A] : memref<2560x128xi32, #tpu.memory_space<hbm>> -> memref<80x128xi32, #tpu.memory_space<hbm>>
      %dma_wait3A_60 = arith.constant 0 : i32
      %dma_wait3A_61 = tpu.memref_slice %arg4[%add3A_31, %dma_wait3A_60] : memref<2560x128xi32, #tpu.memory_space<hbm>> -> memref<80x128xi32, #tpu.memory_space<hbm>>
      tpu.wait_dma2 semaphore(%run_scoped3A : memref<!tpu.dma_semaphore, #tpu.memory_space<semaphore_mem>>) src(%dma_wait3A_61 : memref<80x128xi32, #tpu.memory_space<hbm>>) dst(%arg7 : memref<80x128xi32, #tpu.memory_space<vmem>>)
      tpu.yield
    }) : () -> ()
    %add3A_32 = arith.constant 80 : i32
    %add3A_33 = arith.addi %mul3A_8, %add3A_32 : i32
    "tpu.region"() ({
      %run_scoped3A = tpu.sem_alloc : memref<!tpu.dma_semaphore, #tpu.memory_space<semaphore_mem>>
      %dma_start3A_55 = arith.constant 0 : i32
      %dma_start3A_56 = tpu.memref_slice %arg5[%add3A_33, %dma_start3A_55] : memref<2560x128xi32, #tpu.memory_space<hbm>> -> memref<80x128xi32, #tpu.memory_space<hbm>>
      %dma_start3A_57 = arith.constant 0 : i32
      %dma_start3A_58 = tpu.memref_slice %arg5[%add3A_33, %dma_start3A_57] : memref<2560x128xi32, #tpu.memory_space<hbm>> -> memref<80x128xi32, #tpu.memory_space<hbm>>
      tpu.enqueue_dma source(%dma_start3A_58 : memref<80x128xi32, #tpu.memory_space<hbm>>) target(%arg8 : memref<80x128xi32, #tpu.memory_space<vmem>>) target_semaphore(%run_scoped3A : memref<!tpu.dma_semaphore, #tpu.memory_space<semaphore_mem>>)
      %dma_wait3A = arith.constant 0 : i32
      %dma_wait3A_59 = tpu.memref_slice %arg5[%add3A_33, %dma_wait3A] : memref<2560x128xi32, #tpu.memory_space<hbm>> -> memref<80x128xi32, #tpu.memory_space<hbm>>
      %dma_wait3A_60 = arith.constant 0 : i32
      %dma_wait3A_61 = tpu.memref_slice %arg5[%add3A_33, %dma_wait3A_60] : memref<2560x128xi32, #tpu.memory_space<hbm>> -> memref<80x128xi32, #tpu.memory_space<hbm>>
      tpu.wait_dma2 semaphore(%run_scoped3A : memref<!tpu.dma_semaphore, #tpu.memory_space<semaphore_mem>>) src(%dma_wait3A_61 : memref<80x128xi32, #tpu.memory_space<hbm>>) dst(%arg8 : memref<80x128xi32, #tpu.memory_space<vmem>>)
      tpu.yield
    }) : () -> ()
    %dma_start3A_34 = arith.constant 0 : i32
    %dma_start3A_35 = arith.constant 0 : i32
    %dma_start3A_36 = tpu.memref_slice %arg7[%dma_start3A_34, %dma_start3A_35] : memref<80x128xi32, #tpu.memory_space<vmem>> -> memref<1x128xi32, #tpu.memory_space<vmem>>
    %dma_start3A_37 = tpu.memref_squeeze %dma_start3A_36 : memref<1x128xi32, #tpu.memory_space<vmem>> -> memref<128xi32, #tpu.memory_space<vmem>>
    %dma_start3A_38 = arith.constant 0 : i32
    %dma_start3A_39 = arith.constant 0 : i32
    %dma_start3A_40 = tpu.memref_slice %arg12[%dma_start3A_38, %dma_start3A_39] : memref<10240x64xf32, #tpu.memory_space<vmem_shared>> -> memref<10240x64xf32, #tpu.memory_space<vmem_shared>>
    tpu.enqueue_indirect_dma source(%dma_start3A_40 : memref<10240x64xf32, #tpu.memory_space<vmem_shared>>) target(%arg9 : memref<128x64xf32, #tpu.memory_space<vmem>>) offsets(%dma_start3A_37 : memref<128xi32, #tpu.memory_space<vmem>>) semaphore(%arg13 : memref<!tpu.dma_semaphore, #tpu.memory_space<semaphore_mem>>)
    %dma_start3A_41 = arith.constant 1 : i32
    %dma_start3A_42 = arith.constant 0 : i32
    %dma_start3A_43 = tpu.memref_slice %arg7[%dma_start3A_41, %dma_start3A_42] : memref<80x128xi32, #tpu.memory_space<vmem>> -> memref<1x128xi32, #tpu.memory_space<vmem>>
    %dma_start3A_44 = tpu.memref_squeeze %dma_start3A_43 : memref<1x128xi32, #tpu.memory_space<vmem>> -> memref<128xi32, #tpu.memory_space<vmem>>
    %dma_start3A_45 = arith.constant 0 : i32
    %dma_start3A_46 = arith.constant 0 : i32
    %dma_start3A_47 = tpu.memref_slice %arg12[%dma_start3A_45, %dma_start3A_46] : memref<10240x64xf32, #tpu.memory_space<vmem_shared>> -> memref<10240x64xf32, #tpu.memory_space<vmem_shared>>
    tpu.enqueue_indirect_dma source(%dma_start3A_47 : memref<10240x64xf32, #tpu.memory_space<vmem_shared>>) target(%arg10 : memref<128x64xf32, #tpu.memory_space<vmem>>) offsets(%dma_start3A_44 : memref<128xi32, #tpu.memory_space<vmem>>) semaphore(%arg14 : memref<!tpu.dma_semaphore, #tpu.memory_space<semaphore_mem>>)
    %scan3A_48 = arith.constant 0 : i32
    %scan3A_49 = arith.constant 0 : i32
    %scan3A_50 = arith.constant 40 : i32
    %scan3A_51 = arith.addi %scan3A_49, %scan3A_50 : i32
    %scan3A_52 = arith.constant 1 : i32
    scf.for %scan3A_55 = %scan3A_49 to %scan3A_51 step %scan3A_52  : i32 {
      %mul3A_56 = arith.constant 2 : i32
      %mul3A_57 = arith.muli %scan3A_55, %mul3A_56 : i32
      %add3A_58 = arith.constant 0 : i32
      %add3A_59 = arith.addi %mul3A_57, %add3A_58 : i32
      %dma_wait3A = arith.constant 0 : i32
      %dma_wait3A_60 = tpu.memref_slice %arg7[%add3A_59, %dma_wait3A] : memref<80x128xi32, #tpu.memory_space<vmem>> -> memref<1x128xi32, #tpu.memory_space<vmem>>
      %dma_wait3A_61 = tpu.memref_squeeze %dma_wait3A_60 : memref<1x128xi32, #tpu.memory_space<vmem>> -> memref<128xi32, #tpu.memory_space<vmem>>
      %dma_wait3A_62 = arith.constant 0 : i32
      %dma_wait3A_63 = arith.constant 0 : i32
      %dma_wait3A_64 = tpu.memref_slice %arg12[%dma_wait3A_62, %dma_wait3A_63] : memref<10240x64xf32, #tpu.memory_space<vmem_shared>> -> memref<10240x64xf32, #tpu.memory_space<vmem_shared>>
      tpu.wait_indirect_dma semaphore(%arg13 : memref<!tpu.dma_semaphore, #tpu.memory_space<semaphore_mem>>) src(%dma_wait3A_64 : memref<10240x64xf32, #tpu.memory_space<vmem_shared>>) dst(%arg9 : memref<128x64xf32, #tpu.memory_space<vmem>>)
      %add3A_65 = arith.constant 0 : i32
      %add3A_66 = arith.addi %mul3A_57, %add3A_65 : i32
      "tpu.region"() ({
        %run_scoped3A = tpu.sem_alloc : memref<!tpu.dma_semaphore, #tpu.memory_space<semaphore_mem>>
        %dma_start3A_94 = arith.constant 0 : i32
        %dma_start3A_95 = tpu.memref_slice %arg8[%add3A_66, %dma_start3A_94] : memref<80x128xi32, #tpu.memory_space<vmem>> -> memref<1x128xi32, #tpu.memory_space<vmem>>
        %dma_start3A_96 = tpu.memref_squeeze %dma_start3A_95 : memref<1x128xi32, #tpu.memory_space<vmem>> -> memref<128xi32, #tpu.memory_space<vmem>>
        %dma_start3A_97 = arith.constant 0 : i32
        %dma_start3A_98 = arith.constant 0 : i32
        %dma_start3A_99 = tpu.memref_slice %arg11[%dma_start3A_97, %dma_start3A_98] : memref<10240x64xf32, #tpu.memory_space<vmem_shared>> -> memref<10240x64xf32, #tpu.memory_space<vmem_shared>>
        tpu.enqueue_indirect_dma source(%arg9 : memref<128x64xf32, #tpu.memory_space<vmem>>) target(%dma_start3A_99 : memref<10240x64xf32, #tpu.memory_space<vmem_shared>>) offsets(%dma_start3A_96 : memref<128xi32, #tpu.memory_space<vmem>>) semaphore(%run_scoped3A : memref<!tpu.dma_semaphore, #tpu.memory_space<semaphore_mem>>) {add = true}
        %dma_wait3A_100 = arith.constant 0 : i32
        %dma_wait3A_101 = tpu.memref_slice %arg8[%add3A_66, %dma_wait3A_100] : memref<80x128xi32, #tpu.memory_space<vmem>> -> memref<1x128xi32, #tpu.memory_space<vmem>>
        %dma_wait3A_102 = tpu.memref_squeeze %dma_wait3A_101 : memref<1x128xi32, #tpu.memory_space<vmem>> -> memref<128xi32, #tpu.memory_space<vmem>>
        %dma_wait3A_103 = arith.constant 0 : i32
        %dma_wait3A_104 = arith.constant 0 : i32
        %dma_wait3A_105 = tpu.memref_slice %arg11[%dma_wait3A_103, %dma_wait3A_104] : memref<10240x64xf32, #tpu.memory_space<vmem_shared>> -> memref<10240x64xf32, #tpu.memory_space<vmem_shared>>
        tpu.wait_indirect_dma semaphore(%run_scoped3A : memref<!tpu.dma_semaphore, #tpu.memory_space<semaphore_mem>>) src(%arg9 : memref<128x64xf32, #tpu.memory_space<vmem>>) dst(%dma_wait3A_105 : memref<10240x64xf32, #tpu.memory_space<vmem_shared>>)
        tpu.yield
      }) : () -> ()
      %add3A_67 = arith.constant 0 : i32
      %add3A_68 = arith.addi %mul3A_57, %add3A_67 : i32
      %add3A_69 = arith.constant 2 : i32
      %add3A_70 = arith.addi %add3A_68, %add3A_69 : i32
      %lt3A = arith.constant 80 : i32
      %lt3A_71 = arith.cmpi slt, %add3A_70, %lt3A : i32
      %convert_element_type3A_72 = arith.extui %lt3A_71 : i1 to i32
      %cond3A_73 = arith.constant 0 : i32
      %cond3A_74 = arith.cmpi ne, %convert_element_type3A_72, %cond3A_73 : i32
      scf.if %cond3A_74 {
        %add3A_94 = arith.constant 0 : i32
        %add3A_95 = arith.addi %mul3A_57, %add3A_94 : i32
        %add3A_96 = arith.constant 2 : i32
        %add3A_97 = arith.addi %add3A_95, %add3A_96 : i32
        %dma_start3A_98 = arith.constant 0 : i32
        %dma_start3A_99 = tpu.memref_slice %arg7[%add3A_97, %dma_start3A_98] : memref<80x128xi32, #tpu.memory_space<vmem>> -> memref<1x128xi32, #tpu.memory_space<vmem>>
        %dma_start3A_100 = tpu.memref_squeeze %dma_start3A_99 : memref<1x128xi32, #tpu.memory_space<vmem>> -> memref<128xi32, #tpu.memory_space<vmem>>
        %dma_start3A_101 = arith.constant 0 : i32
        %dma_start3A_102 = arith.constant 0 : i32
        %dma_start3A_103 = tpu.memref_slice %arg12[%dma_start3A_101, %dma_start3A_102] : memref<10240x64xf32, #tpu.memory_space<vmem_shared>> -> memref<10240x64xf32, #tpu.memory_space<vmem_shared>>
        tpu.enqueue_indirect_dma source(%dma_start3A_103 : memref<10240x64xf32, #tpu.memory_space<vmem_shared>>) target(%arg9 : memref<128x64xf32, #tpu.memory_space<vmem>>) offsets(%dma_start3A_100 : memref<128xi32, #tpu.memory_space<vmem>>) semaphore(%arg13 : memref<!tpu.dma_semaphore, #tpu.memory_space<semaphore_mem>>)
      } else {
      }
      %add3A_75 = arith.constant 1 : i32
      %add3A_76 = arith.addi %mul3A_57, %add3A_75 : i32
      %dma_wait3A_77 = arith.constant 0 : i32
      %dma_wait3A_78 = tpu.memref_slice %arg7[%add3A_76, %dma_wait3A_77] : memref<80x128xi32, #tpu.memory_space<vmem>> -> memref<1x128xi32, #tpu.memory_space<vmem>>
      %dma_wait3A_79 = tpu.memref_squeeze %dma_wait3A_78 : memref<1x128xi32, #tpu.memory_space<vmem>> -> memref<128xi32, #tpu.memory_space<vmem>>
      %dma_wait3A_80 = arith.constant 0 : i32
      %dma_wait3A_81 = arith.constant 0 : i32
      %dma_wait3A_82 = tpu.memref_slice %arg12[%dma_wait3A_80, %dma_wait3A_81] : memref<10240x64xf32, #tpu.memory_space<vmem_shared>> -> memref<10240x64xf32, #tpu.memory_space<vmem_shared>>
      tpu.wait_indirect_dma semaphore(%arg14 : memref<!tpu.dma_semaphore, #tpu.memory_space<semaphore_mem>>) src(%dma_wait3A_82 : memref<10240x64xf32, #tpu.memory_space<vmem_shared>>) dst(%arg10 : memref<128x64xf32, #tpu.memory_space<vmem>>)
      %add3A_83 = arith.constant 1 : i32
      %add3A_84 = arith.addi %mul3A_57, %add3A_83 : i32
      "tpu.region"() ({
        %run_scoped3A = tpu.sem_alloc : memref<!tpu.dma_semaphore, #tpu.memory_space<semaphore_mem>>
        %dma_start3A_94 = arith.constant 0 : i32
        %dma_start3A_95 = tpu.memref_slice %arg8[%add3A_84, %dma_start3A_94] : memref<80x128xi32, #tpu.memory_space<vmem>> -> memref<1x128xi32, #tpu.memory_space<vmem>>
        %dma_start3A_96 = tpu.memref_squeeze %dma_start3A_95 : memref<1x128xi32, #tpu.memory_space<vmem>> -> memref<128xi32, #tpu.memory_space<vmem>>
        %dma_start3A_97 = arith.constant 0 : i32
        %dma_start3A_98 = arith.constant 0 : i32
        %dma_start3A_99 = tpu.memref_slice %arg11[%dma_start3A_97, %dma_start3A_98] : memref<10240x64xf32, #tpu.memory_space<vmem_shared>> -> memref<10240x64xf32, #tpu.memory_space<vmem_shared>>
        tpu.enqueue_indirect_dma source(%arg10 : memref<128x64xf32, #tpu.memory_space<vmem>>) target(%dma_start3A_99 : memref<10240x64xf32, #tpu.memory_space<vmem_shared>>) offsets(%dma_start3A_96 : memref<128xi32, #tpu.memory_space<vmem>>) semaphore(%run_scoped3A : memref<!tpu.dma_semaphore, #tpu.memory_space<semaphore_mem>>) {add = true}
        %dma_wait3A_100 = arith.constant 0 : i32
        %dma_wait3A_101 = tpu.memref_slice %arg8[%add3A_84, %dma_wait3A_100] : memref<80x128xi32, #tpu.memory_space<vmem>> -> memref<1x128xi32, #tpu.memory_space<vmem>>
        %dma_wait3A_102 = tpu.memref_squeeze %dma_wait3A_101 : memref<1x128xi32, #tpu.memory_space<vmem>> -> memref<128xi32, #tpu.memory_space<vmem>>
        %dma_wait3A_103 = arith.constant 0 : i32
        %dma_wait3A_104 = arith.constant 0 : i32
        %dma_wait3A_105 = tpu.memref_slice %arg11[%dma_wait3A_103, %dma_wait3A_104] : memref<10240x64xf32, #tpu.memory_space<vmem_shared>> -> memref<10240x64xf32, #tpu.memory_space<vmem_shared>>
        tpu.wait_indirect_dma semaphore(%run_scoped3A : memref<!tpu.dma_semaphore, #tpu.memory_space<semaphore_mem>>) src(%arg10 : memref<128x64xf32, #tpu.memory_space<vmem>>) dst(%dma_wait3A_105 : memref<10240x64xf32, #tpu.memory_space<vmem_shared>>)
        tpu.yield
      }) : () -> ()
      %add3A_85 = arith.constant 1 : i32
      %add3A_86 = arith.addi %mul3A_57, %add3A_85 : i32
      %add3A_87 = arith.constant 2 : i32
      %add3A_88 = arith.addi %add3A_86, %add3A_87 : i32
      %lt3A_89 = arith.constant 80 : i32
      %lt3A_90 = arith.cmpi slt, %add3A_88, %lt3A_89 : i32
      %convert_element_type3A_91 = arith.extui %lt3A_90 : i1 to i32
      %cond3A_92 = arith.constant 0 : i32
      %cond3A_93 = arith.cmpi ne, %convert_element_type3A_91, %cond3A_92 : i32
      scf.if %cond3A_93 {
        %add3A_94 = arith.constant 1 : i32
        %add3A_95 = arith.addi %mul3A_57, %add3A_94 : i32
        %add3A_96 = arith.constant 2 : i32
        %add3A_97 = arith.addi %add3A_95, %add3A_96 : i32
        %dma_start3A_98 = arith.constant 0 : i32
        %dma_start3A_99 = tpu.memref_slice %arg7[%add3A_97, %dma_start3A_98] : memref<80x128xi32, #tpu.memory_space<vmem>> -> memref<1x128xi32, #tpu.memory_space<vmem>>
        %dma_start3A_100 = tpu.memref_squeeze %dma_start3A_99 : memref<1x128xi32, #tpu.memory_space<vmem>> -> memref<128xi32, #tpu.memory_space<vmem>>
        %dma_start3A_101 = arith.constant 0 : i32
        %dma_start3A_102 = arith.constant 0 : i32
        %dma_start3A_103 = tpu.memref_slice %arg12[%dma_start3A_101, %dma_start3A_102] : memref<10240x64xf32, #tpu.memory_space<vmem_shared>> -> memref<10240x64xf32, #tpu.memory_space<vmem_shared>>
        tpu.enqueue_indirect_dma source(%dma_start3A_103 : memref<10240x64xf32, #tpu.memory_space<vmem_shared>>) target(%arg10 : memref<128x64xf32, #tpu.memory_space<vmem>>) offsets(%dma_start3A_100 : memref<128xi32, #tpu.memory_space<vmem>>) semaphore(%arg14 : memref<!tpu.dma_semaphore, #tpu.memory_space<semaphore_mem>>)
      } else {
      }
    }
    %scan3A_53 = arith.constant 40 : i32
    %barrier3A_54 = arith.constant 0 : index
    tpu.barrier barrier_id(%barrier3A_54)
    "tpu.region"() ({
      %run_scoped3A = tpu.sem_alloc : memref<!tpu.dma_semaphore, #tpu.memory_space<semaphore_mem>>
      %dma_start3A_55 = arith.constant 0 : i32
      %dma_start3A_56 = tpu.memref_slice %arg6[%arg0, %mul3A_0, %dma_start3A_55] : memref<2x10240x64xf32, #tpu.memory_space<hbm>> -> memref<1x640x64xf32, #tpu.memory_space<hbm>>
      %dma_start3A_57 = tpu.memref_squeeze %dma_start3A_56 : memref<1x640x64xf32, #tpu.memory_space<hbm>> -> memref<640x64xf32, #tpu.memory_space<hbm>>
      %dma_start3A_58 = arith.constant 0 : i32
      %dma_start3A_59 = tpu.memref_slice %arg11[%mul3A_0, %dma_start3A_58] : memref<10240x64xf32, #tpu.memory_space<vmem_shared>> -> memref<640x64xf32, #tpu.memory_space<vmem_shared>>
      tpu.enqueue_dma source(%dma_start3A_59 : memref<640x64xf32, #tpu.memory_space<vmem_shared>>) target(%dma_start3A_57 : memref<640x64xf32, #tpu.memory_space<hbm>>) target_semaphore(%run_scoped3A : memref<!tpu.dma_semaphore, #tpu.memory_space<semaphore_mem>>)
      %dma_wait3A = arith.constant 0 : i32
      %dma_wait3A_60 = tpu.memref_slice %arg6[%arg0, %mul3A_0, %dma_wait3A] : memref<2x10240x64xf32, #tpu.memory_space<hbm>> -> memref<1x640x64xf32, #tpu.memory_space<hbm>>
      %dma_wait3A_61 = tpu.memref_squeeze %dma_wait3A_60 : memref<1x640x64xf32, #tpu.memory_space<hbm>> -> memref<640x64xf32, #tpu.memory_space<hbm>>
      %dma_wait3A_62 = arith.constant 0 : i32
      %dma_wait3A_63 = tpu.memref_slice %arg11[%mul3A_0, %dma_wait3A_62] : memref<10240x64xf32, #tpu.memory_space<vmem_shared>> -> memref<640x64xf32, #tpu.memory_space<vmem_shared>>
      tpu.wait_dma2 semaphore(%run_scoped3A : memref<!tpu.dma_semaphore, #tpu.memory_space<semaphore_mem>>) src(%dma_wait3A_63 : memref<640x64xf32, #tpu.memory_space<vmem_shared>>) dst(%dma_wait3A_61 : memref<640x64xf32, #tpu.memory_space<hbm>>)
      tpu.yield
    }) : () -> ()
    return
  }
}

#map = affine_map<(d0, d1) -> (0, 0)>
#map1 = affine_map<(d0, d1) -> (0, 0, 0)>
module attributes {stable_mosaic.version = 14 : i64} {
  func.func @_sc_prop(%arg0: i32, %arg1: i32, %arg2: memref<10240x64xf32, #tpu.memory_space<hbm>>, %arg3: memref<10240x64xf32, #tpu.memory_space<hbm>>, %arg4: memref<2560x128xi32, #tpu.memory_space<hbm>>, %arg5: memref<2560x128xi32, #tpu.memory_space<hbm>>, %arg6: memref<2x10240x64xf32, #tpu.memory_space<hbm>>, %arg7: memref<80x128xi32, #tpu.memory_space<vmem>>, %arg8: memref<80x128xi32, #tpu.memory_space<vmem>>, %arg9: memref<128x64xf32, #tpu.memory_space<vmem>>, %arg10: memref<128x64xf32, #tpu.memory_space<vmem>>, %arg11: memref<10240x64xf32, #tpu.memory_space<vmem_shared>>, %arg12: memref<10240x64xf32, #tpu.memory_space<vmem_shared>>, %arg13: memref<!tpu.dma_semaphore, #tpu.memory_space<semaphore_mem>>, %arg14: memref<!tpu.dma_semaphore, #tpu.memory_space<semaphore_mem>>) attributes {dimension_semantics = [#tpu.dimension_semantics<core_parallel>, #tpu.dimension_semantics<subcore_parallel>], iteration_bounds = array<i64: 2, 16>, scalar_prefetch = 0 : i64, scratch_operands = 8 : i64, tpu.core_type = #tpu.core_type<sc_vector_subcore>, window_params = [{transform_indices = #map}, {transform_indices = #map}, {transform_indices = #map}, {transform_indices = #map}, {transform_indices = #map1}]} {
    %mul3A = arith.constant 16 : i32
    %mul3A_0 = arith.muli %arg0, %mul3A : i32
    %add3A = arith.addi %mul3A_0, %arg1 : i32
    %mul3A_1 = arith.constant 640 : i32
    %mul3A_2 = arith.muli %arg1, %mul3A_1 : i32
    "tpu.region"() ({
      %run_scoped3A = tpu.sem_alloc : memref<!tpu.dma_semaphore, #tpu.memory_space<semaphore_mem>>
      %dma_start3A_34 = arith.constant 0 : i32
      %dma_start3A_35 = tpu.memref_slice %arg12[%mul3A_2, %dma_start3A_34] : memref<10240x64xf32, #tpu.memory_space<vmem_shared>> -> memref<640x64xf32, #tpu.memory_space<vmem_shared>>
      %dma_start3A_36 = arith.constant 0 : i32
      %dma_start3A_37 = tpu.memref_slice %arg2[%mul3A_2, %dma_start3A_36] : memref<10240x64xf32, #tpu.memory_space<hbm>> -> memref<640x64xf32, #tpu.memory_space<hbm>>
      tpu.enqueue_dma source(%dma_start3A_37 : memref<640x64xf32, #tpu.memory_space<hbm>>) target(%dma_start3A_35 : memref<640x64xf32, #tpu.memory_space<vmem_shared>>) target_semaphore(%run_scoped3A : memref<!tpu.dma_semaphore, #tpu.memory_space<semaphore_mem>>)
      %dma_wait3A = arith.constant 0 : i32
      %dma_wait3A_38 = tpu.memref_slice %arg12[%mul3A_2, %dma_wait3A] : memref<10240x64xf32, #tpu.memory_space<vmem_shared>> -> memref<640x64xf32, #tpu.memory_space<vmem_shared>>
      %dma_wait3A_39 = arith.constant 0 : i32
      %dma_wait3A_40 = tpu.memref_slice %arg2[%mul3A_2, %dma_wait3A_39] : memref<10240x64xf32, #tpu.memory_space<hbm>> -> memref<640x64xf32, #tpu.memory_space<hbm>>
      tpu.wait_dma2 semaphore(%run_scoped3A : memref<!tpu.dma_semaphore, #tpu.memory_space<semaphore_mem>>) src(%dma_wait3A_40 : memref<640x64xf32, #tpu.memory_space<hbm>>) dst(%dma_wait3A_38 : memref<640x64xf32, #tpu.memory_space<vmem_shared>>)
      tpu.yield
    }) : () -> ()
    %eq3A = arith.constant 0 : i32
    %eq3A_3 = arith.cmpi eq, %arg0, %eq3A : i32
    %convert_element_type3A = arith.extui %eq3A_3 : i1 to i32
    %cond3A = arith.constant 0 : i32
    %cond3A_4 = arith.cmpi ne, %convert_element_type3A, %cond3A : i32
    scf.if %cond3A_4 {
      "tpu.region"() ({
        %run_scoped3A = tpu.sem_alloc : memref<!tpu.dma_semaphore, #tpu.memory_space<semaphore_mem>>
        %dma_start3A_34 = arith.constant 0 : i32
        %dma_start3A_35 = tpu.memref_slice %arg11[%mul3A_2, %dma_start3A_34] : memref<10240x64xf32, #tpu.memory_space<vmem_shared>> -> memref<640x64xf32, #tpu.memory_space<vmem_shared>>
        %dma_start3A_36 = arith.constant 0 : i32
        %dma_start3A_37 = tpu.memref_slice %arg2[%mul3A_2, %dma_start3A_36] : memref<10240x64xf32, #tpu.memory_space<hbm>> -> memref<640x64xf32, #tpu.memory_space<hbm>>
        tpu.enqueue_dma source(%dma_start3A_37 : memref<640x64xf32, #tpu.memory_space<hbm>>) target(%dma_start3A_35 : memref<640x64xf32, #tpu.memory_space<vmem_shared>>) target_semaphore(%run_scoped3A : memref<!tpu.dma_semaphore, #tpu.memory_space<semaphore_mem>>)
        %dma_wait3A = arith.constant 0 : i32
        %dma_wait3A_38 = tpu.memref_slice %arg11[%mul3A_2, %dma_wait3A] : memref<10240x64xf32, #tpu.memory_space<vmem_shared>> -> memref<640x64xf32, #tpu.memory_space<vmem_shared>>
        %dma_wait3A_39 = arith.constant 0 : i32
        %dma_wait3A_40 = tpu.memref_slice %arg2[%mul3A_2, %dma_wait3A_39] : memref<10240x64xf32, #tpu.memory_space<hbm>> -> memref<640x64xf32, #tpu.memory_space<hbm>>
        tpu.wait_dma2 semaphore(%run_scoped3A : memref<!tpu.dma_semaphore, #tpu.memory_space<semaphore_mem>>) src(%dma_wait3A_40 : memref<640x64xf32, #tpu.memory_space<hbm>>) dst(%dma_wait3A_38 : memref<640x64xf32, #tpu.memory_space<vmem_shared>>)
        tpu.yield
      }) : () -> ()
    } else {
    }
    %ne3A = arith.constant 0 : i32
    %ne3A_5 = arith.cmpi ne, %arg0, %ne3A : i32
    %convert_element_type3A_6 = arith.extui %ne3A_5 : i1 to i32
    %cond3A_7 = arith.constant 0 : i32
    %cond3A_8 = arith.cmpi ne, %convert_element_type3A_6, %cond3A_7 : i32
    scf.if %cond3A_8 {
      "tpu.region"() ({
        %run_scoped3A = tpu.sem_alloc : memref<!tpu.dma_semaphore, #tpu.memory_space<semaphore_mem>>
        %dma_start3A_34 = arith.constant 0 : i32
        %dma_start3A_35 = tpu.memref_slice %arg11[%mul3A_2, %dma_start3A_34] : memref<10240x64xf32, #tpu.memory_space<vmem_shared>> -> memref<640x64xf32, #tpu.memory_space<vmem_shared>>
        %dma_start3A_36 = arith.constant 0 : i32
        %dma_start3A_37 = tpu.memref_slice %arg3[%mul3A_2, %dma_start3A_36] : memref<10240x64xf32, #tpu.memory_space<hbm>> -> memref<640x64xf32, #tpu.memory_space<hbm>>
        tpu.enqueue_dma source(%dma_start3A_37 : memref<640x64xf32, #tpu.memory_space<hbm>>) target(%dma_start3A_35 : memref<640x64xf32, #tpu.memory_space<vmem_shared>>) target_semaphore(%run_scoped3A : memref<!tpu.dma_semaphore, #tpu.memory_space<semaphore_mem>>)
        %dma_wait3A = arith.constant 0 : i32
        %dma_wait3A_38 = tpu.memref_slice %arg11[%mul3A_2, %dma_wait3A] : memref<10240x64xf32, #tpu.memory_space<vmem_shared>> -> memref<640x64xf32, #tpu.memory_space<vmem_shared>>
        %dma_wait3A_39 = arith.constant 0 : i32
        %dma_wait3A_40 = tpu.memref_slice %arg3[%mul3A_2, %dma_wait3A_39] : memref<10240x64xf32, #tpu.memory_space<hbm>> -> memref<640x64xf32, #tpu.memory_space<hbm>>
        tpu.wait_dma2 semaphore(%run_scoped3A : memref<!tpu.dma_semaphore, #tpu.memory_space<semaphore_mem>>) src(%dma_wait3A_40 : memref<640x64xf32, #tpu.memory_space<hbm>>) dst(%dma_wait3A_38 : memref<640x64xf32, #tpu.memory_space<vmem_shared>>)
        tpu.yield
      }) : () -> ()
    } else {
    }
    %barrier3A = arith.constant 0 : index
    tpu.barrier barrier_id(%barrier3A)
    %mul3A_9 = arith.constant 80 : i32
    %mul3A_10 = arith.muli %add3A, %mul3A_9 : i32
    %add3A_11 = arith.constant 0 : i32
    %add3A_12 = arith.addi %mul3A_10, %add3A_11 : i32
    "tpu.region"() ({
      %run_scoped3A = tpu.sem_alloc : memref<!tpu.dma_semaphore, #tpu.memory_space<semaphore_mem>>
      %dma_start3A_34 = arith.constant 0 : i32
      %dma_start3A_35 = tpu.memref_slice %arg4[%add3A_12, %dma_start3A_34] : memref<2560x128xi32, #tpu.memory_space<hbm>> -> memref<80x128xi32, #tpu.memory_space<hbm>>
      %dma_start3A_36 = arith.constant 0 : i32
      %dma_start3A_37 = tpu.memref_slice %arg4[%add3A_12, %dma_start3A_36] : memref<2560x128xi32, #tpu.memory_space<hbm>> -> memref<80x128xi32, #tpu.memory_space<hbm>>
      tpu.enqueue_dma source(%dma_start3A_37 : memref<80x128xi32, #tpu.memory_space<hbm>>) target(%arg7 : memref<80x128xi32, #tpu.memory_space<vmem>>) target_semaphore(%run_scoped3A : memref<!tpu.dma_semaphore, #tpu.memory_space<semaphore_mem>>)
      %dma_wait3A = arith.constant 0 : i32
      %dma_wait3A_38 = tpu.memref_slice %arg4[%add3A_12, %dma_wait3A] : memref<2560x128xi32, #tpu.memory_space<hbm>> -> memref<80x128xi32, #tpu.memory_space<hbm>>
      %dma_wait3A_39 = arith.constant 0 : i32
      %dma_wait3A_40 = tpu.memref_slice %arg4[%add3A_12, %dma_wait3A_39] : memref<2560x128xi32, #tpu.memory_space<hbm>> -> memref<80x128xi32, #tpu.memory_space<hbm>>
      tpu.wait_dma2 semaphore(%run_scoped3A : memref<!tpu.dma_semaphore, #tpu.memory_space<semaphore_mem>>) src(%dma_wait3A_40 : memref<80x128xi32, #tpu.memory_space<hbm>>) dst(%arg7 : memref<80x128xi32, #tpu.memory_space<vmem>>)
      tpu.yield
    }) : () -> ()
    %add3A_13 = arith.constant 0 : i32
    %add3A_14 = arith.addi %mul3A_10, %add3A_13 : i32
    "tpu.region"() ({
      %run_scoped3A = tpu.sem_alloc : memref<!tpu.dma_semaphore, #tpu.memory_space<semaphore_mem>>
      %dma_start3A_34 = arith.constant 0 : i32
      %dma_start3A_35 = tpu.memref_slice %arg5[%add3A_14, %dma_start3A_34] : memref<2560x128xi32, #tpu.memory_space<hbm>> -> memref<80x128xi32, #tpu.memory_space<hbm>>
      %dma_start3A_36 = arith.constant 0 : i32
      %dma_start3A_37 = tpu.memref_slice %arg5[%add3A_14, %dma_start3A_36] : memref<2560x128xi32, #tpu.memory_space<hbm>> -> memref<80x128xi32, #tpu.memory_space<hbm>>
      tpu.enqueue_dma source(%dma_start3A_37 : memref<80x128xi32, #tpu.memory_space<hbm>>) target(%arg8 : memref<80x128xi32, #tpu.memory_space<vmem>>) target_semaphore(%run_scoped3A : memref<!tpu.dma_semaphore, #tpu.memory_space<semaphore_mem>>)
      %dma_wait3A = arith.constant 0 : i32
      %dma_wait3A_38 = tpu.memref_slice %arg5[%add3A_14, %dma_wait3A] : memref<2560x128xi32, #tpu.memory_space<hbm>> -> memref<80x128xi32, #tpu.memory_space<hbm>>
      %dma_wait3A_39 = arith.constant 0 : i32
      %dma_wait3A_40 = tpu.memref_slice %arg5[%add3A_14, %dma_wait3A_39] : memref<2560x128xi32, #tpu.memory_space<hbm>> -> memref<80x128xi32, #tpu.memory_space<hbm>>
      tpu.wait_dma2 semaphore(%run_scoped3A : memref<!tpu.dma_semaphore, #tpu.memory_space<semaphore_mem>>) src(%dma_wait3A_40 : memref<80x128xi32, #tpu.memory_space<hbm>>) dst(%arg8 : memref<80x128xi32, #tpu.memory_space<vmem>>)
      tpu.yield
    }) : () -> ()
    %dma_start3A = arith.constant 0 : i32
    %dma_start3A_15 = arith.constant 0 : i32
    %dma_start3A_16 = tpu.memref_slice %arg7[%dma_start3A, %dma_start3A_15] : memref<80x128xi32, #tpu.memory_space<vmem>> -> memref<1x128xi32, #tpu.memory_space<vmem>>
    %dma_start3A_17 = tpu.memref_squeeze %dma_start3A_16 : memref<1x128xi32, #tpu.memory_space<vmem>> -> memref<128xi32, #tpu.memory_space<vmem>>
    %dma_start3A_18 = arith.constant 0 : i32
    %dma_start3A_19 = arith.constant 0 : i32
    %dma_start3A_20 = tpu.memref_slice %arg12[%dma_start3A_18, %dma_start3A_19] : memref<10240x64xf32, #tpu.memory_space<vmem_shared>> -> memref<10240x64xf32, #tpu.memory_space<vmem_shared>>
    tpu.enqueue_indirect_dma source(%dma_start3A_20 : memref<10240x64xf32, #tpu.memory_space<vmem_shared>>) target(%arg9 : memref<128x64xf32, #tpu.memory_space<vmem>>) offsets(%dma_start3A_17 : memref<128xi32, #tpu.memory_space<vmem>>) semaphore(%arg13 : memref<!tpu.dma_semaphore, #tpu.memory_space<semaphore_mem>>)
    %dma_start3A_21 = arith.constant 1 : i32
    %dma_start3A_22 = arith.constant 0 : i32
    %dma_start3A_23 = tpu.memref_slice %arg7[%dma_start3A_21, %dma_start3A_22] : memref<80x128xi32, #tpu.memory_space<vmem>> -> memref<1x128xi32, #tpu.memory_space<vmem>>
    %dma_start3A_24 = tpu.memref_squeeze %dma_start3A_23 : memref<1x128xi32, #tpu.memory_space<vmem>> -> memref<128xi32, #tpu.memory_space<vmem>>
    %dma_start3A_25 = arith.constant 0 : i32
    %dma_start3A_26 = arith.constant 0 : i32
    %dma_start3A_27 = tpu.memref_slice %arg12[%dma_start3A_25, %dma_start3A_26] : memref<10240x64xf32, #tpu.memory_space<vmem_shared>> -> memref<10240x64xf32, #tpu.memory_space<vmem_shared>>
    tpu.enqueue_indirect_dma source(%dma_start3A_27 : memref<10240x64xf32, #tpu.memory_space<vmem_shared>>) target(%arg10 : memref<128x64xf32, #tpu.memory_space<vmem>>) offsets(%dma_start3A_24 : memref<128xi32, #tpu.memory_space<vmem>>) semaphore(%arg14 : memref<!tpu.dma_semaphore, #tpu.memory_space<semaphore_mem>>)
    %scan3A = arith.constant 0 : i32
    %scan3A_28 = arith.constant 0 : i32
    %scan3A_29 = arith.constant 40 : i32
    %scan3A_30 = arith.addi %scan3A_28, %scan3A_29 : i32
    %scan3A_31 = arith.constant 1 : i32
    scf.for %scan3A_34 = %scan3A_28 to %scan3A_30 step %scan3A_31  : i32 {
      %mul3A_35 = arith.constant 2 : i32
      %mul3A_36 = arith.muli %scan3A_34, %mul3A_35 : i32
      %add3A_37 = arith.constant 0 : i32
      %add3A_38 = arith.addi %mul3A_36, %add3A_37 : i32
      %dma_wait3A = arith.constant 0 : i32
      %dma_wait3A_39 = tpu.memref_slice %arg7[%add3A_38, %dma_wait3A] : memref<80x128xi32, #tpu.memory_space<vmem>> -> memref<1x128xi32, #tpu.memory_space<vmem>>
      %dma_wait3A_40 = tpu.memref_squeeze %dma_wait3A_39 : memref<1x128xi32, #tpu.memory_space<vmem>> -> memref<128xi32, #tpu.memory_space<vmem>>
      %dma_wait3A_41 = arith.constant 0 : i32
      %dma_wait3A_42 = arith.constant 0 : i32
      %dma_wait3A_43 = tpu.memref_slice %arg12[%dma_wait3A_41, %dma_wait3A_42] : memref<10240x64xf32, #tpu.memory_space<vmem_shared>> -> memref<10240x64xf32, #tpu.memory_space<vmem_shared>>
      tpu.wait_indirect_dma semaphore(%arg13 : memref<!tpu.dma_semaphore, #tpu.memory_space<semaphore_mem>>) src(%dma_wait3A_43 : memref<10240x64xf32, #tpu.memory_space<vmem_shared>>) dst(%arg9 : memref<128x64xf32, #tpu.memory_space<vmem>>)
      %add3A_44 = arith.constant 0 : i32
      %add3A_45 = arith.addi %mul3A_36, %add3A_44 : i32
      "tpu.region"() ({
        %run_scoped3A = tpu.sem_alloc : memref<!tpu.dma_semaphore, #tpu.memory_space<semaphore_mem>>
        %dma_start3A_73 = arith.constant 0 : i32
        %dma_start3A_74 = tpu.memref_slice %arg8[%add3A_45, %dma_start3A_73] : memref<80x128xi32, #tpu.memory_space<vmem>> -> memref<1x128xi32, #tpu.memory_space<vmem>>
        %dma_start3A_75 = tpu.memref_squeeze %dma_start3A_74 : memref<1x128xi32, #tpu.memory_space<vmem>> -> memref<128xi32, #tpu.memory_space<vmem>>
        %dma_start3A_76 = arith.constant 0 : i32
        %dma_start3A_77 = arith.constant 0 : i32
        %dma_start3A_78 = tpu.memref_slice %arg11[%dma_start3A_76, %dma_start3A_77] : memref<10240x64xf32, #tpu.memory_space<vmem_shared>> -> memref<10240x64xf32, #tpu.memory_space<vmem_shared>>
        tpu.enqueue_indirect_dma source(%arg9 : memref<128x64xf32, #tpu.memory_space<vmem>>) target(%dma_start3A_78 : memref<10240x64xf32, #tpu.memory_space<vmem_shared>>) offsets(%dma_start3A_75 : memref<128xi32, #tpu.memory_space<vmem>>) semaphore(%run_scoped3A : memref<!tpu.dma_semaphore, #tpu.memory_space<semaphore_mem>>) {add = true}
        %dma_wait3A_79 = arith.constant 0 : i32
        %dma_wait3A_80 = tpu.memref_slice %arg8[%add3A_45, %dma_wait3A_79] : memref<80x128xi32, #tpu.memory_space<vmem>> -> memref<1x128xi32, #tpu.memory_space<vmem>>
        %dma_wait3A_81 = tpu.memref_squeeze %dma_wait3A_80 : memref<1x128xi32, #tpu.memory_space<vmem>> -> memref<128xi32, #tpu.memory_space<vmem>>
        %dma_wait3A_82 = arith.constant 0 : i32
        %dma_wait3A_83 = arith.constant 0 : i32
        %dma_wait3A_84 = tpu.memref_slice %arg11[%dma_wait3A_82, %dma_wait3A_83] : memref<10240x64xf32, #tpu.memory_space<vmem_shared>> -> memref<10240x64xf32, #tpu.memory_space<vmem_shared>>
        tpu.wait_indirect_dma semaphore(%run_scoped3A : memref<!tpu.dma_semaphore, #tpu.memory_space<semaphore_mem>>) src(%arg9 : memref<128x64xf32, #tpu.memory_space<vmem>>) dst(%dma_wait3A_84 : memref<10240x64xf32, #tpu.memory_space<vmem_shared>>)
        tpu.yield
      }) : () -> ()
      %add3A_46 = arith.constant 0 : i32
      %add3A_47 = arith.addi %mul3A_36, %add3A_46 : i32
      %add3A_48 = arith.constant 2 : i32
      %add3A_49 = arith.addi %add3A_47, %add3A_48 : i32
      %lt3A = arith.constant 80 : i32
      %lt3A_50 = arith.cmpi slt, %add3A_49, %lt3A : i32
      %convert_element_type3A_51 = arith.extui %lt3A_50 : i1 to i32
      %cond3A_52 = arith.constant 0 : i32
      %cond3A_53 = arith.cmpi ne, %convert_element_type3A_51, %cond3A_52 : i32
      scf.if %cond3A_53 {
        %add3A_73 = arith.constant 0 : i32
        %add3A_74 = arith.addi %mul3A_36, %add3A_73 : i32
        %add3A_75 = arith.constant 2 : i32
        %add3A_76 = arith.addi %add3A_74, %add3A_75 : i32
        %dma_start3A_77 = arith.constant 0 : i32
        %dma_start3A_78 = tpu.memref_slice %arg7[%add3A_76, %dma_start3A_77] : memref<80x128xi32, #tpu.memory_space<vmem>> -> memref<1x128xi32, #tpu.memory_space<vmem>>
        %dma_start3A_79 = tpu.memref_squeeze %dma_start3A_78 : memref<1x128xi32, #tpu.memory_space<vmem>> -> memref<128xi32, #tpu.memory_space<vmem>>
        %dma_start3A_80 = arith.constant 0 : i32
        %dma_start3A_81 = arith.constant 0 : i32
        %dma_start3A_82 = tpu.memref_slice %arg12[%dma_start3A_80, %dma_start3A_81] : memref<10240x64xf32, #tpu.memory_space<vmem_shared>> -> memref<10240x64xf32, #tpu.memory_space<vmem_shared>>
        tpu.enqueue_indirect_dma source(%dma_start3A_82 : memref<10240x64xf32, #tpu.memory_space<vmem_shared>>) target(%arg9 : memref<128x64xf32, #tpu.memory_space<vmem>>) offsets(%dma_start3A_79 : memref<128xi32, #tpu.memory_space<vmem>>) semaphore(%arg13 : memref<!tpu.dma_semaphore, #tpu.memory_space<semaphore_mem>>)
      } else {
      }
      %add3A_54 = arith.constant 1 : i32
      %add3A_55 = arith.addi %mul3A_36, %add3A_54 : i32
      %dma_wait3A_56 = arith.constant 0 : i32
      %dma_wait3A_57 = tpu.memref_slice %arg7[%add3A_55, %dma_wait3A_56] : memref<80x128xi32, #tpu.memory_space<vmem>> -> memref<1x128xi32, #tpu.memory_space<vmem>>
      %dma_wait3A_58 = tpu.memref_squeeze %dma_wait3A_57 : memref<1x128xi32, #tpu.memory_space<vmem>> -> memref<128xi32, #tpu.memory_space<vmem>>
      %dma_wait3A_59 = arith.constant 0 : i32
      %dma_wait3A_60 = arith.constant 0 : i32
      %dma_wait3A_61 = tpu.memref_slice %arg12[%dma_wait3A_59, %dma_wait3A_60] : memref<10240x64xf32, #tpu.memory_space<vmem_shared>> -> memref<10240x64xf32, #tpu.memory_space<vmem_shared>>
      tpu.wait_indirect_dma semaphore(%arg14 : memref<!tpu.dma_semaphore, #tpu.memory_space<semaphore_mem>>) src(%dma_wait3A_61 : memref<10240x64xf32, #tpu.memory_space<vmem_shared>>) dst(%arg10 : memref<128x64xf32, #tpu.memory_space<vmem>>)
      %add3A_62 = arith.constant 1 : i32
      %add3A_63 = arith.addi %mul3A_36, %add3A_62 : i32
      "tpu.region"() ({
        %run_scoped3A = tpu.sem_alloc : memref<!tpu.dma_semaphore, #tpu.memory_space<semaphore_mem>>
        %dma_start3A_73 = arith.constant 0 : i32
        %dma_start3A_74 = tpu.memref_slice %arg8[%add3A_63, %dma_start3A_73] : memref<80x128xi32, #tpu.memory_space<vmem>> -> memref<1x128xi32, #tpu.memory_space<vmem>>
        %dma_start3A_75 = tpu.memref_squeeze %dma_start3A_74 : memref<1x128xi32, #tpu.memory_space<vmem>> -> memref<128xi32, #tpu.memory_space<vmem>>
        %dma_start3A_76 = arith.constant 0 : i32
        %dma_start3A_77 = arith.constant 0 : i32
        %dma_start3A_78 = tpu.memref_slice %arg11[%dma_start3A_76, %dma_start3A_77] : memref<10240x64xf32, #tpu.memory_space<vmem_shared>> -> memref<10240x64xf32, #tpu.memory_space<vmem_shared>>
        tpu.enqueue_indirect_dma source(%arg10 : memref<128x64xf32, #tpu.memory_space<vmem>>) target(%dma_start3A_78 : memref<10240x64xf32, #tpu.memory_space<vmem_shared>>) offsets(%dma_start3A_75 : memref<128xi32, #tpu.memory_space<vmem>>) semaphore(%run_scoped3A : memref<!tpu.dma_semaphore, #tpu.memory_space<semaphore_mem>>) {add = true}
        %dma_wait3A_79 = arith.constant 0 : i32
        %dma_wait3A_80 = tpu.memref_slice %arg8[%add3A_63, %dma_wait3A_79] : memref<80x128xi32, #tpu.memory_space<vmem>> -> memref<1x128xi32, #tpu.memory_space<vmem>>
        %dma_wait3A_81 = tpu.memref_squeeze %dma_wait3A_80 : memref<1x128xi32, #tpu.memory_space<vmem>> -> memref<128xi32, #tpu.memory_space<vmem>>
        %dma_wait3A_82 = arith.constant 0 : i32
        %dma_wait3A_83 = arith.constant 0 : i32
        %dma_wait3A_84 = tpu.memref_slice %arg11[%dma_wait3A_82, %dma_wait3A_83] : memref<10240x64xf32, #tpu.memory_space<vmem_shared>> -> memref<10240x64xf32, #tpu.memory_space<vmem_shared>>
        tpu.wait_indirect_dma semaphore(%run_scoped3A : memref<!tpu.dma_semaphore, #tpu.memory_space<semaphore_mem>>) src(%arg10 : memref<128x64xf32, #tpu.memory_space<vmem>>) dst(%dma_wait3A_84 : memref<10240x64xf32, #tpu.memory_space<vmem_shared>>)
        tpu.yield
      }) : () -> ()
      %add3A_64 = arith.constant 1 : i32
      %add3A_65 = arith.addi %mul3A_36, %add3A_64 : i32
      %add3A_66 = arith.constant 2 : i32
      %add3A_67 = arith.addi %add3A_65, %add3A_66 : i32
      %lt3A_68 = arith.constant 80 : i32
      %lt3A_69 = arith.cmpi slt, %add3A_67, %lt3A_68 : i32
      %convert_element_type3A_70 = arith.extui %lt3A_69 : i1 to i32
      %cond3A_71 = arith.constant 0 : i32
      %cond3A_72 = arith.cmpi ne, %convert_element_type3A_70, %cond3A_71 : i32
      scf.if %cond3A_72 {
        %add3A_73 = arith.constant 1 : i32
        %add3A_74 = arith.addi %mul3A_36, %add3A_73 : i32
        %add3A_75 = arith.constant 2 : i32
        %add3A_76 = arith.addi %add3A_74, %add3A_75 : i32
        %dma_start3A_77 = arith.constant 0 : i32
        %dma_start3A_78 = tpu.memref_slice %arg7[%add3A_76, %dma_start3A_77] : memref<80x128xi32, #tpu.memory_space<vmem>> -> memref<1x128xi32, #tpu.memory_space<vmem>>
        %dma_start3A_79 = tpu.memref_squeeze %dma_start3A_78 : memref<1x128xi32, #tpu.memory_space<vmem>> -> memref<128xi32, #tpu.memory_space<vmem>>
        %dma_start3A_80 = arith.constant 0 : i32
        %dma_start3A_81 = arith.constant 0 : i32
        %dma_start3A_82 = tpu.memref_slice %arg12[%dma_start3A_80, %dma_start3A_81] : memref<10240x64xf32, #tpu.memory_space<vmem_shared>> -> memref<10240x64xf32, #tpu.memory_space<vmem_shared>>
        tpu.enqueue_indirect_dma source(%dma_start3A_82 : memref<10240x64xf32, #tpu.memory_space<vmem_shared>>) target(%arg10 : memref<128x64xf32, #tpu.memory_space<vmem>>) offsets(%dma_start3A_79 : memref<128xi32, #tpu.memory_space<vmem>>) semaphore(%arg14 : memref<!tpu.dma_semaphore, #tpu.memory_space<semaphore_mem>>)
      } else {
      }
    }
    %scan3A_32 = arith.constant 40 : i32
    %barrier3A_33 = arith.constant 0 : index
    tpu.barrier barrier_id(%barrier3A_33)
    "tpu.region"() ({
      %run_scoped3A = tpu.sem_alloc : memref<!tpu.dma_semaphore, #tpu.memory_space<semaphore_mem>>
      %dma_start3A_34 = arith.constant 0 : i32
      %dma_start3A_35 = tpu.memref_slice %arg6[%arg0, %mul3A_2, %dma_start3A_34] : memref<2x10240x64xf32, #tpu.memory_space<hbm>> -> memref<1x640x64xf32, #tpu.memory_space<hbm>>
      %dma_start3A_36 = tpu.memref_squeeze %dma_start3A_35 : memref<1x640x64xf32, #tpu.memory_space<hbm>> -> memref<640x64xf32, #tpu.memory_space<hbm>>
      %dma_start3A_37 = arith.constant 0 : i32
      %dma_start3A_38 = tpu.memref_slice %arg11[%mul3A_2, %dma_start3A_37] : memref<10240x64xf32, #tpu.memory_space<vmem_shared>> -> memref<640x64xf32, #tpu.memory_space<vmem_shared>>
      tpu.enqueue_dma source(%dma_start3A_38 : memref<640x64xf32, #tpu.memory_space<vmem_shared>>) target(%dma_start3A_36 : memref<640x64xf32, #tpu.memory_space<hbm>>) target_semaphore(%run_scoped3A : memref<!tpu.dma_semaphore, #tpu.memory_space<semaphore_mem>>)
      %dma_wait3A = arith.constant 0 : i32
      %dma_wait3A_39 = tpu.memref_slice %arg6[%arg0, %mul3A_2, %dma_wait3A] : memref<2x10240x64xf32, #tpu.memory_space<hbm>> -> memref<1x640x64xf32, #tpu.memory_space<hbm>>
      %dma_wait3A_40 = tpu.memref_squeeze %dma_wait3A_39 : memref<1x640x64xf32, #tpu.memory_space<hbm>> -> memref<640x64xf32, #tpu.memory_space<hbm>>
      %dma_wait3A_41 = arith.constant 0 : i32
      %dma_wait3A_42 = tpu.memref_slice %arg11[%mul3A_2, %dma_wait3A_41] : memref<10240x64xf32, #tpu.memory_space<vmem_shared>> -> memref<640x64xf32, #tpu.memory_space<vmem_shared>>
      tpu.wait_dma2 semaphore(%run_scoped3A : memref<!tpu.dma_semaphore, #tpu.memory_space<semaphore_mem>>) src(%dma_wait3A_42 : memref<640x64xf32, #tpu.memory_space<vmem_shared>>) dst(%dma_wait3A_40 : memref<640x64xf32, #tpu.memory_space<hbm>>)
      tpu.yield
    }) : () -> ()
    return
  }
}

module attributes {stable_mosaic.version = 14 : i64} {
  func.func @_tc_k1(%arg0: i32, %arg1: memref<512x128xf32, #tpu.memory_space<vmem>>, %arg2: memref<128x128xf32, #tpu.memory_space<vmem>>, %arg3: memref<32x512xf32, #tpu.memory_space<vmem>>, %arg4: memref<512x64xf32, #tpu.memory_space<vmem>>, %arg5: memref<512x64xf32, #tpu.memory_space<vmem>>) attributes {dimension_semantics = [#tpu.dimension_semantics<arbitrary>], iteration_bounds = array<i64: 20>, scalar_prefetch = 0 : i64, scratch_operands = 0 : i64, tpu.core_type = #tpu.core_type<tc>, window_params = [{transform_indices = @transform_0, window_bounds = array<i64: 512, 128>}, {pipeline_mode = #tpu.pipeline_mode<synchronous>, transform_indices = @transform_1, window_bounds = array<i64: 128, 128>}, {transform_indices = @transform_2, window_bounds = array<i64: 32, 512>}, {transform_indices = @transform_3, window_bounds = array<i64: 512, 64>}, {transform_indices = @transform_4, window_bounds = array<i64: 512, 64>}]} {
    %get3A = arith.constant 0 : index
    %get3A_0 = arith.constant 0 : index
    %get3A_1 = vector.load %arg3[%get3A, %get3A_0] : memref<32x512xf32, #tpu.memory_space<vmem>>, vector<32x512xf32>
    %reduce_sum3A = arith.constant dense<0.000000e+00> : vector<512xf32>
    %reduce_sum3A_2 = vector.multi_reduction <add>, %get3A_1, %reduce_sum3A [0] : vector<32x512xf32> to vector<512xf32>
    %add3A = arith.constant 1.000000e+00 : f32
    %add3A_3 = vector.broadcast %add3A : f32 to vector<512xf32>
    %add3A_4 = arith.addf %reduce_sum3A_2, %add3A_3 : vector<512xf32>
    %rsqrt3A = math.rsqrt %add3A_4 : vector<512xf32>
    %broadcast_in_dim3A = vector.shape_cast %rsqrt3A : vector<512xf32> to vector<512x1xf32>
    %get3A_5 = arith.constant 0 : index
    %get3A_6 = arith.constant 0 : index
    %get3A_7 = vector.load %arg1[%get3A_5, %get3A_6] : memref<512x128xf32, #tpu.memory_space<vmem>>, vector<512x128xf32>
    %get3A_8 = arith.constant 0 : index
    %get3A_9 = arith.constant 0 : index
    %get3A_10 = vector.load %arg2[%get3A_8, %get3A_9] : memref<128x128xf32, #tpu.memory_space<vmem>>, vector<128x128xf32>
    %dot_general3A = arith.constant dense<0.000000e+00> : vector<512x128xf32>
    %dot_general3A_11 = tpu.matmul %get3A_7, %get3A_10, %dot_general3A {dimension_numbers = #tpu.dot_dimension_numbers<[1], [0], [0], [1], [0, 0, 1, 1], [], []>, transpose_lhs_hint = false} : vector<512x128xf32>, vector<128x128xf32>, vector<512x128xf32> -> vector<512x128xf32>
    %mul3A = vector.broadcast %broadcast_in_dim3A : vector<512x1xf32> to vector<512x128xf32>
    %mul3A_12 = arith.mulf %dot_general3A_11, %mul3A : vector<512x128xf32>
    %slice3A = vector.extract_strided_slice %mul3A_12 {offsets = [0, 0], sizes = [512, 64], strides = [1, 1]} : vector<512x128xf32> to vector<512x64xf32>
    %swap3A = arith.constant 0 : index
    %swap3A_13 = arith.constant 0 : index
    %swap3A_14 = vector.load %arg4[%swap3A, %swap3A_13] : memref<512x64xf32, #tpu.memory_space<vmem>>, vector<512x64xf32>
    tpu.vector_store %arg4[%swap3A, %swap3A_13], %slice3A {strides = array<i32>} : memref<512x64xf32, #tpu.memory_space<vmem>>, vector<512x64xf32>,
    %slice3A_15 = vector.extract_strided_slice %mul3A_12 {offsets = [0, 64], sizes = [512, 64], strides = [1, 1]} : vector<512x128xf32> to vector<512x64xf32>
    %swap3A_16 = arith.constant 0 : index
    %swap3A_17 = arith.constant 0 : index
    %swap3A_18 = vector.load %arg5[%swap3A_16, %swap3A_17] : memref<512x64xf32, #tpu.memory_space<vmem>>, vector<512x64xf32>
    tpu.vector_store %arg5[%swap3A_16, %swap3A_17], %slice3A_15 {strides = array<i32>} : memref<512x64xf32, #tpu.memory_space<vmem>>, vector<512x64xf32>,
    return
  }
  func.func @transform_0(%arg0: i32) -> (i32, i32) {
    %c0_i32 = arith.constant 0 : i32
    %c0_i32_0 = arith.constant 0 : i32
    return %arg0, %c0_i32 : i32, i32
  }
  func.func @transform_1(%arg0: i32) -> (i32, i32) {
    %c0_i32 = arith.constant 0 : i32
    %c0_i32_0 = arith.constant 0 : i32
    %c0_i32_1 = arith.constant 0 : i32
    return %c0_i32, %c0_i32_0 : i32, i32
  }
  func.func @transform_2(%arg0: i32) -> (i32, i32) {
    %c0_i32 = arith.constant 0 : i32
    %c0_i32_0 = arith.constant 0 : i32
    return %c0_i32, %arg0 : i32, i32
  }
  func.func @transform_3(%arg0: i32) -> (i32, i32) {
    %c0_i32 = arith.constant 0 : i32
    %c0_i32_0 = arith.constant 0 : i32
    return %arg0, %c0_i32 : i32, i32
  }
  func.func @transform_4(%arg0: i32) -> (i32, i32) {
    %c0_i32 = arith.constant 0 : i32
    %c0_i32_0 = arith.constant 0 : i32
    return %arg0, %c0_i32 : i32, i32
  }
}

module attributes {stable_mosaic.version = 14 : i64} {
  func.func @_tc_k3(%arg0: i32, %arg1: memref<2x512x64xf32, #tpu.memory_space<vmem>>, %arg2: memref<32x512xf32, #tpu.memory_space<vmem>>, %arg3: memref<1x64xf32, #tpu.memory_space<vmem>>, %arg4: memref<512x64xf32, #tpu.memory_space<vmem>>) attributes {dimension_semantics = [#tpu.dimension_semantics<arbitrary>], iteration_bounds = array<i64: 20>, scalar_prefetch = 0 : i64, scratch_operands = 0 : i64, tpu.core_type = #tpu.core_type<tc>, window_params = [{transform_indices = @transform_0, window_bounds = array<i64: 2, 512, 64>}, {transform_indices = @transform_1, window_bounds = array<i64: 32, 512>}, {pipeline_mode = #tpu.pipeline_mode<synchronous>, transform_indices = @transform_2, window_bounds = array<i64: 1, 64>}, {transform_indices = @transform_3, window_bounds = array<i64: 512, 64>}]} {
    %get3A = arith.constant 0 : index
    %get3A_0 = arith.constant 0 : index
    %get3A_1 = vector.load %arg2[%get3A, %get3A_0] : memref<32x512xf32, #tpu.memory_space<vmem>>, vector<32x512xf32>
    %reduce_sum3A = arith.constant dense<0.000000e+00> : vector<512xf32>
    %reduce_sum3A_2 = vector.multi_reduction <add>, %get3A_1, %reduce_sum3A [0] : vector<32x512xf32> to vector<512xf32>
    %add3A = arith.constant 1.000000e+00 : f32
    %add3A_3 = vector.broadcast %add3A : f32 to vector<512xf32>
    %add3A_4 = arith.addf %reduce_sum3A_2, %add3A_3 : vector<512xf32>
    %rsqrt3A = math.rsqrt %add3A_4 : vector<512xf32>
    %broadcast_in_dim3A = vector.shape_cast %rsqrt3A : vector<512xf32> to vector<512x1xf32>
    %get3A_5 = arith.constant 0 : index
    %get3A_6 = arith.constant 0 : index
    %get3A_7 = arith.constant 0 : index
    %get3A_8 = vector.load %arg1[%get3A_5, %get3A_6, %get3A_7] : memref<2x512x64xf32, #tpu.memory_space<vmem>>, vector<1x512x64xf32>
    %get3A_9 = vector.shape_cast %get3A_8 : vector<1x512x64xf32> to vector<512x64xf32>
    %get3A_10 = arith.constant 1 : index
    %get3A_11 = arith.constant 0 : index
    %get3A_12 = arith.constant 0 : index
    %get3A_13 = vector.load %arg1[%get3A_10, %get3A_11, %get3A_12] : memref<2x512x64xf32, #tpu.memory_space<vmem>>, vector<1x512x64xf32>
    %get3A_14 = vector.shape_cast %get3A_13 : vector<1x512x64xf32> to vector<512x64xf32>
    %add3A_15 = arith.addf %get3A_9, %get3A_14 : vector<512x64xf32>
    %mul3A = vector.broadcast %broadcast_in_dim3A : vector<512x1xf32> to vector<512x64xf32>
    %mul3A_16 = arith.mulf %add3A_15, %mul3A : vector<512x64xf32>
    %get3A_17 = arith.constant 0 : index
    %get3A_18 = arith.constant 0 : index
    %get3A_19 = vector.load %arg3[%get3A_17, %get3A_18] : memref<1x64xf32, #tpu.memory_space<vmem>>, vector<1x64xf32>
    %add3A_20 = vector.broadcast %get3A_19 : vector<1x64xf32> to vector<512x64xf32>
    %add3A_21 = arith.addf %mul3A_16, %add3A_20 : vector<512x64xf32>
    %swap3A = arith.constant 0 : index
    %swap3A_22 = arith.constant 0 : index
    %swap3A_23 = vector.load %arg4[%swap3A, %swap3A_22] : memref<512x64xf32, #tpu.memory_space<vmem>>, vector<512x64xf32>
    tpu.vector_store %arg4[%swap3A, %swap3A_22], %add3A_21 {strides = array<i32>} : memref<512x64xf32, #tpu.memory_space<vmem>>, vector<512x64xf32>,
    return
  }
  func.func @transform_0(%arg0: i32) -> (i32, i32, i32) {
    %c0_i32 = arith.constant 0 : i32
    %c0_i32_0 = arith.constant 0 : i32
    %c0_i32_1 = arith.constant 0 : i32
    return %c0_i32, %arg0, %c0_i32_0 : i32, i32, i32
  }
  func.func @transform_1(%arg0: i32) -> (i32, i32) {
    %c0_i32 = arith.constant 0 : i32
    %c0_i32_0 = arith.constant 0 : i32
    return %c0_i32, %arg0 : i32, i32
  }
  func.func @transform_2(%arg0: i32) -> (i32, i32) {
    %c0_i32 = arith.constant 0 : i32
    %c0_i32_0 = arith.constant 0 : i32
    %c0_i32_1 = arith.constant 0 : i32
    return %c0_i32, %c0_i32_0 : i32, i32
  }
  func.func @transform_3(%arg0: i32) -> (i32, i32) {
    %c0_i32 = arith.constant 0 : i32
    %c0_i32_0 = arith.constant 0 : i32
    return %arg0, %c0_i32 : i32, i32
  }
}

module attributes {stable_mosaic.version = 14 : i64} {
  func.func @_tc_k2(%arg0: i32, %arg1: memref<2x512x64xf32, #tpu.memory_space<vmem>>, %arg2: memref<32x512xf32, #tpu.memory_space<vmem>>, %arg3: memref<1x128xf32, #tpu.memory_space<vmem>>, %arg4: memref<128x64xf32, #tpu.memory_space<vmem>>, %arg5: memref<512x64xf32, #tpu.memory_space<vmem>>) attributes {dimension_semantics = [#tpu.dimension_semantics<arbitrary>], iteration_bounds = array<i64: 20>, scalar_prefetch = 0 : i64, scratch_operands = 0 : i64, tpu.core_type = #tpu.core_type<tc>, window_params = [{transform_indices = @transform_0, window_bounds = array<i64: 2, 512, 64>}, {transform_indices = @transform_1, window_bounds = array<i64: 32, 512>}, {pipeline_mode = #tpu.pipeline_mode<synchronous>, transform_indices = @transform_2, window_bounds = array<i64: 1, 128>}, {pipeline_mode = #tpu.pipeline_mode<synchronous>, transform_indices = @transform_3, window_bounds = array<i64: 128, 64>}, {transform_indices = @transform_4, window_bounds = array<i64: 512, 64>}]} {
    %get3A = arith.constant 0 : index
    %get3A_0 = arith.constant 0 : index
    %get3A_1 = vector.load %arg2[%get3A, %get3A_0] : memref<32x512xf32, #tpu.memory_space<vmem>>, vector<32x512xf32>
    %reduce_sum3A = arith.constant dense<0.000000e+00> : vector<512xf32>
    %reduce_sum3A_2 = vector.multi_reduction <add>, %get3A_1, %reduce_sum3A [0] : vector<32x512xf32> to vector<512xf32>
    %add3A = arith.constant 1.000000e+00 : f32
    %add3A_3 = vector.broadcast %add3A : f32 to vector<512xf32>
    %add3A_4 = arith.addf %reduce_sum3A_2, %add3A_3 : vector<512xf32>
    %rsqrt3A = math.rsqrt %add3A_4 : vector<512xf32>
    %broadcast_in_dim3A = vector.shape_cast %rsqrt3A : vector<512xf32> to vector<512x1xf32>
    %get3A_5 = arith.constant 0 : index
    %get3A_6 = arith.constant 0 : index
    %get3A_7 = arith.constant 0 : index
    %get3A_8 = vector.load %arg1[%get3A_5, %get3A_6, %get3A_7] : memref<2x512x64xf32, #tpu.memory_space<vmem>>, vector<1x512x64xf32>
    %get3A_9 = vector.shape_cast %get3A_8 : vector<1x512x64xf32> to vector<512x64xf32>
    %get3A_10 = arith.constant 1 : index
    %get3A_11 = arith.constant 0 : index
    %get3A_12 = arith.constant 0 : index
    %get3A_13 = vector.load %arg1[%get3A_10, %get3A_11, %get3A_12] : memref<2x512x64xf32, #tpu.memory_space<vmem>>, vector<1x512x64xf32>
    %get3A_14 = vector.shape_cast %get3A_13 : vector<1x512x64xf32> to vector<512x64xf32>
    %concatenate3A = tpu.concatenate %get3A_9, %get3A_14 in 1 : vector<512x64xf32>, vector<512x64xf32> -> vector<512x128xf32>
    %mul3A = vector.broadcast %broadcast_in_dim3A : vector<512x1xf32> to vector<512x128xf32>
    %mul3A_15 = arith.mulf %concatenate3A, %mul3A : vector<512x128xf32>
    %get3A_16 = arith.constant 0 : index
    %get3A_17 = arith.constant 0 : index
    %get3A_18 = vector.load %arg3[%get3A_16, %get3A_17] : memref<1x128xf32, #tpu.memory_space<vmem>>, vector<1x128xf32>
    %add3A_19 = vector.broadcast %get3A_18 : vector<1x128xf32> to vector<512x128xf32>
    %add3A_20 = arith.addf %mul3A_15, %add3A_19 : vector<512x128xf32>
    %max3A = arith.constant 0.000000e+00 : f32
    %max3A_21 = vector.broadcast %max3A : f32 to vector<512x128xf32>
    %max3A_22 = arith.maximumf %add3A_20, %max3A_21 : vector<512x128xf32>
    %get3A_23 = arith.constant 0 : index
    %get3A_24 = arith.constant 0 : index
    %get3A_25 = vector.load %arg4[%get3A_23, %get3A_24] : memref<128x64xf32, #tpu.memory_space<vmem>>, vector<128x64xf32>
    %dot_general3A = arith.constant dense<0.000000e+00> : vector<512x64xf32>
    %dot_general3A_26 = tpu.matmul %max3A_22, %get3A_25, %dot_general3A {dimension_numbers = #tpu.dot_dimension_numbers<[1], [0], [0], [1], [0, 0, 1, 1], [], []>, transpose_lhs_hint = false} : vector<512x128xf32>, vector<128x64xf32>, vector<512x64xf32> -> vector<512x64xf32>
    %mul3A_27 = vector.broadcast %broadcast_in_dim3A : vector<512x1xf32> to vector<512x64xf32>
    %mul3A_28 = arith.mulf %dot_general3A_26, %mul3A_27 : vector<512x64xf32>
    %swap3A = arith.constant 0 : index
    %swap3A_29 = arith.constant 0 : index
    %swap3A_30 = vector.load %arg5[%swap3A, %swap3A_29] : memref<512x64xf32, #tpu.memory_space<vmem>>, vector<512x64xf32>
    tpu.vector_store %arg5[%swap3A, %swap3A_29], %mul3A_28 {strides = array<i32>} : memref<512x64xf32, #tpu.memory_space<vmem>>, vector<512x64xf32>,
    return
  }
  func.func @transform_0(%arg0: i32) -> (i32, i32, i32) {
    %c0_i32 = arith.constant 0 : i32
    %c0_i32_0 = arith.constant 0 : i32
    %c0_i32_1 = arith.constant 0 : i32
    return %c0_i32, %arg0, %c0_i32_0 : i32, i32, i32
  }
  func.func @transform_1(%arg0: i32) -> (i32, i32) {
    %c0_i32 = arith.constant 0 : i32
    %c0_i32_0 = arith.constant 0 : i32
    return %c0_i32, %arg0 : i32, i32
  }
  func.func @transform_2(%arg0: i32) -> (i32, i32) {
    %c0_i32 = arith.constant 0 : i32
    %c0_i32_0 = arith.constant 0 : i32
    %c0_i32_1 = arith.constant 0 : i32
    return %c0_i32, %c0_i32_0 : i32, i32
  }
  func.func @transform_3(%arg0: i32) -> (i32, i32) {
    %c0_i32 = arith.constant 0 : i32
    %c0_i32_0 = arith.constant 0 : i32
    %c0_i32_1 = arith.constant 0 : i32
    return %c0_i32, %c0_i32_0 : i32, i32
  }
  func.func @transform_4(%arg0: i32) -> (i32, i32) {
    %c0_i32 = arith.constant 0 : i32
    %c0_i32_0 = arith.constant 0 : i32
    return %arg0, %c0_i32 : i32, i32
  }
}

</mosaic_0001>

<sc_bundles>
// kernel: kernel.11.cloned.1.call-start
scs
__scs_entry_jumppad:
0x0: {  	(pc) =	sbr.rel $0x88, $3  }
0x1: {  	(tag) =	ssettag $0x0;
	lr =	simm.s32 $0x1  }
0x2: {  	[smem:$0x3F9B] =	sst lr;
	_ =	strace $0xD0000000  }
0x3: {  	_ = 	snop  }
0x4: {  	_ = 	snop  }
0x5: {  	_ = 	snop  }
0x6: {  	_ = 	snop  }
0x7: {  	_ = 	snop  }
__scs_overlays_trampoline_lowered:
0x8: {  	[smem:$0x3FAA] =	sst s0  }
0x9: {  	[smem:$0x3FAB] =	sst s1  }
0xa: {  	[smem:$0x3FAC] =	sst s2  }
0xb: {  	[smem:$0x3FAD] =	sst s3  }
0xc: {  	[smem:$0x3FAE] =	sst s4  }
0xd: {  	[smem:$0x3FAF] =	sst s5  }
0xe: {  	[smem:$0x3FB0] =	sst s6  }
0xf: {  	[smem:$0x3FB1] =	sst s7  }
0x10: {  	[smem:$0x3FB2] =	sst s8  }
0x11: {  	[smem:$0x3FB3] =	sst s9;
	s0 =	simm.s32 @!p0 $0x0  }
0x12: {  	s1 =	sld [smem:$0x3F99];
	s0 =	simm.s32 @p0 $0x1  }
0x13: {  	[smem:$0x3FB4] =	sst s0;
	s0 =	simm.s32 @!p1 $0x0  }
0x14: {  	s2 =	sld [smem:$0x3F98];
	s0 =	simm.s32 @p1 $0x1  }
0x15: {  	[smem:$0x3FB5] =	sst s0;
	s0 =	simm.s32 @!p2 $0x0  }
0x16: {  	s3 =	sld [smem:$0x3FDB];
	s0 =	simm.s32 @p2 $0x1  }
0x17: {  	s4 =	simm.s32 $0x1BF5;
	[smem:$0x3FB7] =	sst s0  }
0x18: {  	s0 =	sld [smem:$0x3F9A];
	_ =	swait.ge [sflag:s4], $0x0  }
0x19: {  	s7 =	sld [smem:$0x3F9B]  }
0x1a: {  	s8 =	sadd.s32 $0xFFFFE003, lr  }
0x1b: {  	s9 =	sadd.s32 $0xFFFFFEF7, lr;
	s5 =	simm.s32 $0xFFFFFFFF;
	p2 =	slt.u32 s8, $0xFFFFF086  }
0x1c: {  	p1 =	slt.u32 s9, $0xF7A;
	s5 =	simm.s32 @!p2 $0x0  }
0x1d: {  	s5 =	simm.s32 @p1 $0x1;
	p0 =	seq.s32 s7, s2  }
0x1e: {  	s7 =	smul.u32 @!p0 $0xF7A, s2;
	p2 =	seq.s32 @!p0 s5, $0x0  }
0x1f: {  	s9 =	smul.u32 $0xF7A, s1;
	s8 =	simm.s32 @!p0 $0x1BF5;
	p2 =	por !p2, p0  }
0x20: {  	[sflag:s8] =	ssyncset.s32 @!p0 $0xFFFFF086;
	s6 =	sadd.s32 @!p0 s3, s7;
	s7 =	simm.s32 @!p0 $0x108  }
0x21: {  	s3 =	sadd.s32 s3, s9;
	s6 =	sadd.s32 @!p0 $0x88, s6;
	s7 =	simm.s32 @p2 $0x1082  }
0x22: {  	[simem:s7], [sflag:s8] =	dma.local @!p0 [hbm:s6], $0xF7A  }
0x23: {  	s9 =	sor.u32 $0xD0000000, s2;
	s6 =	simm.s32 $0x108;
	_ =	swait.ge @!p0 [sflag:s8], $0x0  }
0x24: {  	s3 =	sadd.s32 $0x88, s3;
	s6 =	simm.s32 @!p1 $0x1082;
	[sflag:s4] =	ssyncset.s32 $0xFFFFF086  }
0x25: {  	[simem:s6], [sflag:s4] =	dma.local [hbm:s3], $0xF7A  }
0x26: {  	[smem:$0x3F9B] =	sst s1;
	(tag) =	ssettag s2;
	_ =	strace s9  }
0x27: {  	s1 =	sld [smem:$0x3FAB]  }
0x28: {  	s2 =	sld [smem:$0x3FAC]  }
0x29: {  	s4 =	sld [smem:$0x3FAE]  }
0x2a: {  	p0 =	seq.s32 s5, $0x0;
	s5 =	sld [smem:$0x3FAF]  }
0x2b: {  	s6 =	sld [smem:$0x3FB0]  }
0x2c: {  	s7 =	sld [smem:$0x3FB1]  }
0x2d: {  	s3 =	simm.s32 $0x108;
	s8 =	sld [smem:$0x3FB2]  }
0x2e: {  	s3 =	simm.s32 @!p0 $0x1082;
	s9 =	sld [smem:$0x3FB3]  }
0x2f: {  	lr =	sadd.s32 s0, s3;
	s0 =	sld [smem:$0x3FAA]  }
0x30: {  	s3 =	sld [smem:$0x3FAD]  }
0x31: {  	[smem:$0x3FB6] =	sst s10  }
0x32: {  	s10 =	sld [smem:$0x3FB4];
	_ =	sdelay $0x3  }
0x33: {  	p0 =	seq.s32 s10, $0x1;
	s10 =	sld [smem:$0x3FB6];
	_ =	sdelay $0x3  }
0x34: {  	[smem:$0x3FB6] =	sst s10  }
0x35: {  	s10 =	sld [smem:$0x3FB5];
	_ =	sdelay $0x3  }
0x36: {  	p1 =	seq.s32 s10, $0x1;
	s10 =	sld [smem:$0x3FB6];
	_ =	sdelay $0x3  }
0x37: {  	[smem:$0x3FB6] =	sst s10  }
0x38: {  	s10 =	sld [smem:$0x3FB7]  }
0x39: {  	_ = 	snop;
	(pc) =	sbr.ind lr, $3  }
0x3a: {  	_ = 	snop  }
0x3b: {  	_ = 	snop  }
0x3c: {  	p2 =	seq.s32 s10, $0x1;
	s10 =	sld [smem:$0x3FB6]  }
0x3d: {  	_ =	shalt  }
0x3e: {  	_ =	shalt  }
0x3f: {  	_ =	shalt  }
0x40: {  	_ =	shalt  }
0x41: {  	_ =	shalt  }
0x42: {  	_ =	shalt  }
0x43: {  	_ =	shalt  }
0x44: {  	_ =	shalt  }
0x45: {  	_ =	shalt  }
0x46: {  	_ =	shalt  }
0x47: {  	_ =	shalt  }
0x48: {  	_ =	shalt  }
0x49: {  	_ =	shalt  }
0x4a: {  	_ =	shalt  }
0x4b: {  	_ =	shalt  }
0x4c: {  	_ =	shalt  }
0x4d: {  	_ =	shalt  }
0x4e: {  	_ =	shalt  }
0x4f: {  	_ =	shalt  }
0x50: {  	_ =	shalt  }
0x51: {  	_ =	shalt  }
0x52: {  	_ =	shalt  }
0x53: {  	_ =	shalt  }
0x54: {  	_ =	shalt  }
0x55: {  	_ =	shalt  }
0x56: {  	_ =	shalt  }
0x57: {  	_ =	shalt  }
0x58: {  	_ =	shalt  }
0x59: {  	_ =	shalt  }
0x5a: {  	_ =	shalt  }
0x5b: {  	_ =	shalt  }
0x5c: {  	_ =	shalt  }
0x5d: {  	_ =	shalt  }
0x5e: {  	_ =	shalt  }
0x5f: {  	_ =	shalt  }
0x60: {  	_ =	shalt  }
0x61: {  	_ =	shalt  }
0x62: {  	_ =	shalt  }
0x63: {  	_ =	shalt  }
0x64: {  	_ =	shalt  }
0x65: {  	_ =	shalt  }
0x66: {  	_ =	shalt  }
0x67: {  	_ =	shalt  }
0x68: {  	_ =	shalt  }
0x69: {  	_ =	shalt  }
0x6a: {  	_ =	shalt  }
0x6b: {  	_ =	shalt  }
0x6c: {  	_ =	shalt  }
0x6d: {  	_ =	shalt  }
0x6e: {  	_ =	shalt  }
0x6f: {  	_ =	shalt  }
0x70: {  	_ =	shalt  }
0x71: {  	_ =	shalt  }
0x72: {  	_ =	shalt  }
0x73: {  	_ =	shalt  }
0x74: {  	_ =	shalt  }
0x75: {  	_ =	shalt  }
0x76: {  	_ =	shalt  }
0x77: {  	_ =	shalt  }
0x78: {  	_ =	shalt  }
0x79: {  	_ =	shalt  }
0x7a: {  	_ =	shalt  }
0x7b: {  	_ =	shalt  }
0x7c: {  	_ =	shalt  }
0x7d: {  	_ =	shalt  }
0x7e: {  	_ =	shalt  }
0x7f: {  	_ =	shalt  }
0x80: {  	_ =	shalt  }
0x81: {  	_ =	shalt  }
0x82: {  	_ =	shalt  }
0x83: {  	_ =	shalt  }
0x84: {  	_ =	shalt  }
0x85: {  	_ =	shalt  }
0x86: {  	_ =	shalt  }
0x87: {  	_ =	shalt  }
.Lfunc_end0:
.L_simem_size_0:
called_computation.1_lowered:
.L_overlay_start_0:
0x88: {  	s2 =	sld [smem:$0x3FD9]  }
0x89: {  	s3 =	sld [smem:$0x3FFE];
	_ =	sdelay $0x1  }
0x8a: {  	s1 =	srdreg.scid  }
0x8b: {  	s0 =	sand.u32 $0x1, s1  }
0x8c: {  	s17 =	sshll.u32 s0, $0xA;
	s2 =	sadd.s32 s3, s2  }
0x8d: {  	s2 =	sadd.s32 s2, s17  }
0x8e: {  	[smem:$0x3FC2] =	sst s2  }
0x8f: {  	_ = 	snop  }
0x90: {  	s2 =	sld [smem:$0x3FD0];
	(tm) =	ssettm $0x1  }
0x91: {  	s18 =	sld [smem:$0x3FFB];
	_ =	sdelay $0x3  }
0x92: {  	_ =	strace s18  }
0x93: {  	s3 =	sld [smem:$0x3FFC];
	_ =	sdelay $0x3  }
0x94: {  	_ =	strace s3  }
0x95: {  	s3 =	sld [smem:$0x3FFD];
	_ =	sdelay $0x3  }
0x96: {  	_ =	strace s3  }
0x97: {  	_ =	strace $0x8FFFFFFF  }
0x98: {  	s19 =	sld [smem:$0x3FDB];
	_ =	sdelay $0x1  }
0x99: {  	s4 =	simm.s32 $_scs_section_size  }
0x9a: {  	s5 =	simm.s32 $_size__tile_overlayer_lowered;
	s6 =	simm.s32 $_tile_overlayer_lowered  }
0x9b: {  	s22 =	simm.s32 $0x1BFF;
	s21 =	sshll.u32 s6, $0x1;
	s3 =	sadd.s32 s4, s19  }
0x9c: {  	s7 =	simm.s32 $0x0;
	s20 =	sshll.u32 s5, $0x1;
	s5 =	sadd.s32 s21, s3  }
0x9d: {  	[timem:s7], [sflag:s22] =	dma.local [hbm:s5], s20  }
0x9e: {  	_ =	swait.ge [sflag:s22], s20  }
0x9f: {  	s4 =	ssub.s32 $0x0, s20;
	[sflag:s22] =	ssyncset.done $0x0  }
0xa0: {  	[sflag:s22] =	ssyncadd.s32 s4;
	_ =	sdelay $0x1  }
0xa1: {  	s23 =	simm.s32 $0x1B8B  }
0xa2: {  	_ =	swait.ge [sflag:s23], $0x1  }
0xa3: {  	[sflag:s23] =	ssyncset.done $0x0  }
0xa4: {  	s25 =	simm.s32 $0x1B8E;
	s24 =	sld [smem:$0x3FFE];
	[sflag:s23] =	ssyncadd.s32 $0xFFFFFFFF  }
0xa5: {  	s26 =	simm.s32 $execute0_lowered;
	[smem:$0x3FD2] =	sst s25  }
0xa6: {  	s5 =	sshll.u32 s26, $0x1;
	_ =	strace $0x80000049;
	[dreg:$0x1] =	wrdreg $0xFFFFFFFF  }
0xa7: {  	s28 =	simm.s32 $_size_execute0_lowered;
	s3 =	sadd.s32 s3, s5;
	[dreg:$0x0] =	wrdreg $0x0  }
0xa8: {  	s5 =	sshll.u32 s28, $0x1;
	[dreg:$0x2] =	wrdreg s3  }
0xa9: {  	[dreg:$0x3] =	wrdreg s5  }
0xaa: {  	[dreg:$0x4] =	wrdreg $0xC0  }
0xab: {  	_ =	task [dreg:s7], $0x5FFFF  }
0xac: {  	[dreg:$0x1] =	wrdreg $0xFFFFFFFF  }
0xad: {  	[dreg:$0x0] =	wrdreg $0x60  }
0xae: {  	[dreg:$0x2] =	wrdreg s24  }
0xaf: {  	[dreg:$0x3] =	wrdreg s2  }
0xb0: {  	[dreg:$0x4] =	wrdreg $0x130000  }
0xb1: {  	[dreg:$0x5] =	wrdreg $0x90000  }
0xb2: {  	[dreg:$0x6] =	wrdreg $0x9  }
0xb3: {  	_ =	task.clear_ibuf [dreg:s7], $0x7FFFF;
	_ =	strace $0x90000049  }
0xb4: {  	s29 =	simm.s32 $0x9;
	_ =	strace $0x8000004B  }
0xb5: {  	_ =	swait.ge [sflag:s29], $0x1  }
0xb6: {  	[sflag:s29] =	ssyncadd.s32 $0xFFFFFFFF  }
0xb7: {  	_ =	strace $0x9000004B  }
0xb8: {  	_ =	sfence  }
0xb9: {  	s30 =	sld [smem:$0x0];
	_ =	sdelay $0x2  }
0xba: {  	s31 =	sshll.u32 s1, $0xD;
	s1 =	sshrl.u32 s1, $0x2  }
0xbb: {  	s3 =	sand.u32 $0x4000, s31;
	s1 =	sadd.s32 s1, s30  }
0xbc: {  	s0 =	sor.u32 s3, s0;
	s1 =	sshll.u32 s1, $0x11  }
0xbd: {  	s0 =	sor.u32 s1, s0  }
0xbe: {  	s0 =	sadd.s32 $0x8F2B, s0  }
0xbf: {  	[sflag:s0] =	ssyncadd.remote.s32 $0x1  }
0xc0: {  	_ =	sfence.sel $0xFFFF  }
0xc1: {  	[dreg:$0x0] =	wrdreg $0xFFFFFFFF;
	(pc) =	sbr.abs _section_cstart, $3  }
0xc2: {  	[dreg:$0x1] =	wrdreg $0xFFFFFFFF  }
0xc3: {  	_ =	task.clear_ibuf [dreg:s7], $0x2FFFF;
	_ =	strace $0x9FFFFFFF  }
0xc4: {  	(tm) =	ssettm $0x7FFFFFFF  }
0xc5: {  	_ =	shalt  }
tec
execute0_lowered:
.L_overlay_start_1:
0x0: {  	(tag) =	ssettag $0x1  }
0x1: {  	s10 =	rddreg [dreg:$0x0]  }
0x2: {  	s8 =	rddreg [dreg:$0x1]  }
0x3: {  	s2 =	rddreg [dreg:$0x2]  }
0x4: {  	s3 =	rddreg [dreg:$0x3]  }
0x5: {  	s0 =	rddreg [dreg:$0x4]  }
0x6: {  	s5 =	srdreg.scid;
	s1 =	stileid.u32  }
0x7: {  	s4 =	simm.s32 $0x0;
	s17 =	simm.s32 $0x1FA00;
	s18 =	simm.s32 $0x5000  }
0x8: {  	s19 =	simm.s32 $0x7000;
	s20 =	simm.s32 $0x1;
	s21 =	simm.s32 $0x2  }
0x9: {  	s22 =	simm.s32 $0x4F00;
	s23 =	simm.s32 $0x4F80;
	s6 =	smul.u32 $0xA000, s1  }
0xa: {  	s24 =	simm.s32 $0x0;
	s5 =	sand.u32 $0x1, s5;
	s13 =	smul.u32 $0xA00, s1  }
0xb: {  	[smem:$0x7FF] =	sst s4;
	s9 =	sadd.s32 $0x15A00, s10;
	s26 =	smul.u32 $0x5000, s1  }
0xc: {  	s31 =	sshll.u32 s1, $0x6;
	s7 =	smul.u32 $0xA0000, s5;
	s11 =	ssub.s32 $0x2, s5  }
0xd: {  	_ =	strace $0x8000004A;
	p0 =	seq.s32 s5, $0x0;
	s12 =	sshrl.u32 s11, $0x1  }
0xe: {  	s15 =	sadd.s32 s6, s2;
	s28 =	sshrl.u32 s6, $0x3;
	s16 =	sadd.s32 s6, s3  }
0xf: {  	s5 =	sadd.s32 s9, s13;
	s17 =	simm.s32 @!p0 $0x1A00;
	s7 =	sadd.s32 s6, s7  }
0x10: {  	s11 =	ssub.s32 s11, s12;
	s6 =	sadd.s32 s8, s13;
	s30 =	sadd.s32 s17, s10  }
0x11: {  	s12 =	sor.u32 $0x1C03, s31;
	s13 =	sshrl.u32 s15, $0x3;
	s7 =	sshrl.u32 s7, $0x3  }
0x12: {  	s15 =	sshrl.u32 s16, $0x3;
	s14 =	sadd.s32 s7, s10;
	s7 =	sshrl.u32 s26, $0x3  }
0x13: {  	s16 =	simm.s32 $0x2800;
	s17 =	simm.s32 $0x80;
	s29 =	sadd.s32 $0x500, s7  }
0x14: {  	s10 =	smax.u32 s11, $0x1;
	s11 =	sadd.s32 s30, s28;
	s7 =	sadd.s32 s9, s29  }
0x15: {  	s8 =	sadd.s32 s8, s29;
	s9 =	sadd.s32 $0x33A00, s14;
	s14 =	simm.s32 $0x3  }
.LBB2_1:
0x16: {  	[spmem:s13], [sflag:s12] =	dma.local [hbm:s11], $0x1400  }
0x17: {  	_ =	swait.ge [sflag:s14], $0x1400  }
0x18: {  	[sflag:s14] =	ssyncset.done $0x0  }
0x19: {  	[sflag:s14] =	ssyncadd.s32 $0xFFFFEC00  }
0x1a: {  	[spmem:s15], [sflag:s12] =	dma.local [hbm:s11], $0x1400  }
0x1b: {  	_ =	swait.ge [sflag:s14], $0x1400  }
0x1c: {  	[sflag:s14] =	ssyncset.done $0x0  }
0x1d: {  	[sflag:s14] =	ssyncadd.s32 $0xFFFFEC00  }
0x1e: {  	[bflag:$0x0] =	sbarrier.arrive $0xFFFF  }
0x1f: {  	[tilespmem:s4], [sflag:$0x3] =	stream.linear.gather [hbm4b:s5+s4], $0x2800, $0x38;
	[tilespmem:$0x1D000] =	vst v63  }
0x20: {  	_ =	swait.ge [sflag:s14], $0x2800  }
0x21: {  	[sflag:s14] =	ssyncset.done $0x0  }
0x22: {  	[sflag:s14] =	ssyncadd.s32 $0xFFFFD800  }
0x23: {  	[tilespmem:s16], [sflag:$0x3] =	stream.linear.gather [hbm4b:s6+s4], $0x2800, $0x38;
	[tilespmem:$0x1D000] =	vst v63  }
0x24: {  	_ =	swait.ge [sflag:s14], $0x2800  }
0x25: {  	[sflag:s14] =	ssyncset.done $0x0  }
0x26: {  	[sflag:s14] =	ssyncadd.s32 $0xFFFFD800  }
0x27: {  	[tilespmem:s18], [sflag:$0x1] =	stream.indirect.gather [spmem:s2], $0x40, s4, s17, $0xb8;
	[tilespmem:$0x1D000] =	vst v63  }
0x28: {  	_ = 	snop  }
0x29: {  	[tilespmem:s19], [sflag:$0x2] =	stream.indirect.gather [spmem:s2], $0x40, s17, s17, $0xb8;
	[tilespmem:$0x1D000] =	vst v63  }
0x2a: {  	_ =	swait.ge [sflag:s20], $0x2000  }
0x2b: {  	[sflag:s20] =	ssyncset.done $0x0  }
0x2c: {  	s25 =	simm.s32 $0x2800;
	[sflag:s20] =	ssyncadd.s32 $0xFFFFE000  }
0x2d: {  	[spmem:s3] =	stream.indirect.scatter.add.f32 [tilespmem:s18], [sflag:$0x3], $0x40, s25, s17, $0xb8;
	[tilespmem:$0x1D000] =	vst v63  }
0x2e: {  	_ =	swait.ge [sflag:s14], $0x2000  }
0x2f: {  	[sflag:s14] =	ssyncset.done $0x0  }
0x30: {  	s30 =	simm.s32 $0x100;
	[sflag:s14] =	ssyncadd.s32 $0xFFFFE000  }
0x31: {  	[tilespmem:s18], [sflag:$0x1] =	stream.indirect.gather [spmem:s2], $0x40, s30, s17, $0xb8;
	[tilespmem:$0x1D000] =	vst v63  }
0x32: {  	_ =	swait.ge [sflag:s21], $0x2000  }
0x33: {  	[sflag:s21] =	ssyncset.done $0x0  }
0x34: {  	s31 =	simm.s32 $0x2880;
	[sflag:s21] =	ssyncadd.s32 $0xFFFFE000  }
0x35: {  	[spmem:s3] =	stream.indirect.scatter.add.f32 [tilespmem:s19], [sflag:$0x3], $0x40, s31, s17, $0xb8;
	[tilespmem:$0x1D000] =	vst v63  }
0x36: {  	_ =	swait.ge [sflag:s14], $0x2000  }
0x37: {  	[sflag:s14] =	ssyncset.done $0x0  }
0x38: {  	s26 =	simm.s32 $0x180;
	s25 =	simm.s32 $0x400;
	[sflag:s14] =	ssyncadd.s32 $0xFFFFE000  }
.LBB2_2:
0x39: {  	[tilespmem:s19], [sflag:$0x2] =	stream.indirect.gather [spmem:s2], $0x40, s26, s17, $0xb8;
	[tilespmem:$0x1D000] =	vst v63  }
0x3a: {  	s26 =	smov.u32 s25  }
0x3b: {  	p0 =	sne.s32 s25, $0x9800;
	s25 =	sadd.s32 $0x400, s25;
	_ =	swait.ge [sflag:s20], $0x2000  }
0x3c: {  	s26 =	sshra.s32 s26, $0x2;
	[sflag:s20] =	ssyncset.done $0x0  }
0x3d: {  	s28 =	sadd.s32 $0x2800, s26;
	[sflag:s20] =	ssyncadd.s32 $0xFFFFE000  }
0x3e: {  	[spmem:s3] =	stream.indirect.scatter.add.f32 [tilespmem:s18], [sflag:$0x3], $0x40, s28, s17, $0xb8;
	[tilespmem:$0x1D000] =	vst v63  }
0x3f: {  	_ =	swait.ge [sflag:s14], $0x2000  }
0x40: {  	[sflag:s14] =	ssyncset.done $0x0  }
0x41: {  	s28 =	sadd.s32 $0x100, s26;
	[sflag:s14] =	ssyncadd.s32 $0xFFFFE000  }
0x42: {  	[tilespmem:s18], [sflag:$0x1] =	stream.indirect.gather [spmem:s2], $0x40, s28, s17, $0xb8;
	[tilespmem:$0x1D000] =	vst v63  }
0x43: {  	_ =	swait.ge [sflag:s21], $0x2000  }
0x44: {  	[sflag:s21] =	ssyncset.done $0x0  }
.Ltmp0:
0x45: {  	s28 =	sadd.s32 $0x2880, s26;
	[sflag:s21] =	ssyncadd.s32 $0xFFFFE000;
	(pc) =	sbr.rel @p0 .LBB2_2-.Ltmp0, $4  }
0x46: {  	[spmem:s3] =	stream.indirect.scatter.add.f32 [tilespmem:s19], [sflag:$0x3], $0x40, s28, s17, $0xb8;
	[tilespmem:$0x1D000] =	vst v63  }
0x47: {  	_ =	swait.ge [sflag:s14], $0x2000  }
0x48: {  	[sflag:s14] =	ssyncset.done $0x0  }
0x49: {  	s26 =	sadd.s32 $0x180, s26;
	[sflag:s14] =	ssyncadd.s32 $0xFFFFE000  }
0x4a: {  	[tilespmem:s19], [sflag:$0x2] =	stream.indirect.gather [spmem:s2], $0x40, s26, s17, $0xb8;
	[tilespmem:$0x1D000] =	vst v63  }
0x4b: {  	_ =	swait.ge [sflag:s20], $0x2000  }
0x4c: {  	[sflag:s20] =	ssyncset.done $0x0  }
0x4d: {  	[sflag:s20] =	ssyncadd.s32 $0xFFFFE000  }
0x4e: {  	[spmem:s3] =	stream.indirect.scatter.add.f32 [tilespmem:s18], [sflag:$0x3], $0x40, s22, s17, $0xb8;
	[tilespmem:$0x1D000] =	vst v63  }
0x4f: {  	_ =	swait.ge [sflag:s14], $0x2000  }
0x50: {  	[sflag:s14] =	ssyncset.done $0x0  }
0x51: {  	[sflag:s14] =	ssyncadd.s32 $0xFFFFE000  }
0x52: {  	_ =	swait.ge [sflag:s21], $0x2000  }
0x53: {  	[sflag:s21] =	ssyncset.done $0x0  }
0x54: {  	[sflag:s21] =	ssyncadd.s32 $0xFFFFE000  }
0x55: {  	[spmem:s3] =	stream.indirect.scatter.add.f32 [tilespmem:s19], [sflag:$0x3], $0x40, s23, s17, $0xb8;
	[tilespmem:$0x1D000] =	vst v63  }
0x56: {  	_ =	swait.ge [sflag:s14], $0x2000  }
0x57: {  	[sflag:s14] =	ssyncset.done $0x0  }
0x58: {  	s25 =	simm.s32 $0x0;
	[sflag:s14] =	ssyncadd.s32 $0xFFFFE000  }
0x59: {  	[tilespmem:s25], [sflag:$0x3] =	stream.linear.gather [hbm4b:s7+s25], $0x2800, $0x38;
	[tilespmem:$0x1D000] =	vst v63  }
0x5a: {  	_ =	swait.ge [sflag:s14], $0x2800  }
0x5b: {  	[sflag:s14] =	ssyncset.done $0x0  }
0x5c: {  	[sflag:s14] =	ssyncadd.s32 $0xFFFFD800  }
0x5d: {  	[tilespmem:s16], [sflag:$0x3] =	stream.linear.gather [hbm4b:s8+s25], $0x2800, $0x38;
	[tilespmem:$0x1D000] =	vst v63  }
0x5e: {  	_ =	swait.ge [sflag:s14], $0x2800  }
0x5f: {  	[sflag:s14] =	ssyncset.done $0x0  }
0x60: {  	[sflag:s14] =	ssyncadd.s32 $0xFFFFD800  }
0x61: {  	[tilespmem:s18], [sflag:$0x1] =	stream.indirect.gather [spmem:s2], $0x40, s25, s17, $0xb8;
	[tilespmem:$0x1D000] =	vst v63  }
0x62: {  	_ = 	snop  }
0x63: {  	[tilespmem:s19], [sflag:$0x2] =	stream.indirect.gather [spmem:s2], $0x40, s17, s17, $0xb8;
	[tilespmem:$0x1D000] =	vst v63  }
0x64: {  	_ =	swait.ge [sflag:s20], $0x2000  }
0x65: {  	[sflag:s20] =	ssyncset.done $0x0  }
0x66: {  	s29 =	simm.s32 $0x2800;
	[sflag:s20] =	ssyncadd.s32 $0xFFFFE000  }
0x67: {  	[spmem:s3] =	stream.indirect.scatter.add.f32 [tilespmem:s18], [sflag:$0x3], $0x40, s29, s17, $0xb8;
	[tilespmem:$0x1D000] =	vst v63  }
0x68: {  	_ =	swait.ge [sflag:s14], $0x2000  }
0x69: {  	[sflag:s14] =	ssyncset.done $0x0  }
0x6a: {  	s30 =	simm.s32 $0x100;
	[sflag:s14] =	ssyncadd.s32 $0xFFFFE000  }
0x6b: {  	[tilespmem:s18], [sflag:$0x1] =	stream.indirect.gather [spmem:s2], $0x40, s30, s17, $0xb8;
	[tilespmem:$0x1D000] =	vst v63  }
0x6c: {  	_ =	swait.ge [sflag:s21], $0x2000  }
0x6d: {  	[sflag:s21] =	ssyncset.done $0x0  }
0x6e: {  	s31 =	simm.s32 $0x2880;
	[sflag:s21] =	ssyncadd.s32 $0xFFFFE000  }
0x6f: {  	[spmem:s3] =	stream.indirect.scatter.add.f32 [tilespmem:s19], [sflag:$0x3], $0x40, s31, s17, $0xb8;
	[tilespmem:$0x1D000] =	vst v63  }
0x70: {  	_ =	swait.ge [sflag:s14], $0x2000  }
0x71: {  	[sflag:s14] =	ssyncset.done $0x0  }
0x72: {  	s26 =	simm.s32 $0x180;
	s25 =	simm.s32 $0x400;
	[sflag:s14] =	ssyncadd.s32 $0xFFFFE000  }
.LBB2_4:
0x73: {  	[tilespmem:s19], [sflag:$0x2] =	stream.indirect.gather [spmem:s2], $0x40, s26, s17, $0xb8;
	[tilespmem:$0x1D000] =	vst v63  }
0x74: {  	s26 =	smov.u32 s25  }
0x75: {  	p0 =	sne.s32 s25, $0x9800;
	s25 =	sadd.s32 $0x400, s25;
	_ =	swait.ge [sflag:s20], $0x2000  }
0x76: {  	s26 =	sshra.s32 s26, $0x2;
	[sflag:s20] =	ssyncset.done $0x0  }
0x77: {  	s28 =	sadd.s32 $0x2800, s26;
	[sflag:s20] =	ssyncadd.s32 $0xFFFFE000  }
0x78: {  	[spmem:s3] =	stream.indirect.scatter.add.f32 [tilespmem:s18], [sflag:$0x3], $0x40, s28, s17, $0xb8;
	[tilespmem:$0x1D000] =	vst v63  }
0x79: {  	_ =	swait.ge [sflag:s14], $0x2000  }
0x7a: {  	[sflag:s14] =	ssyncset.done $0x0  }
0x7b: {  	s28 =	sadd.s32 $0x100, s26;
	[sflag:s14] =	ssyncadd.s32 $0xFFFFE000  }
0x7c: {  	[tilespmem:s18], [sflag:$0x1] =	stream.indirect.gather [spmem:s2], $0x40, s28, s17, $0xb8;
	[tilespmem:$0x1D000] =	vst v63  }
0x7d: {  	_ =	swait.ge [sflag:s21], $0x2000  }
0x7e: {  	[sflag:s21] =	ssyncset.done $0x0  }
.Ltmp1:
0x7f: {  	s28 =	sadd.s32 $0x2880, s26;
	[sflag:s21] =	ssyncadd.s32 $0xFFFFE000;
	(pc) =	sbr.rel @p0 .LBB2_4-.Ltmp1, $4  }
0x80: {  	[spmem:s3] =	stream.indirect.scatter.add.f32 [tilespmem:s19], [sflag:$0x3], $0x40, s28, s17, $0xb8;
	[tilespmem:$0x1D000] =	vst v63  }
0x81: {  	_ =	swait.ge [sflag:s14], $0x2000  }
0x82: {  	[sflag:s14] =	ssyncset.done $0x0  }
0x83: {  	s26 =	sadd.s32 $0x180, s26;
	[sflag:s14] =	ssyncadd.s32 $0xFFFFE000  }
0x84: {  	[tilespmem:s19], [sflag:$0x2] =	stream.indirect.gather [spmem:s2], $0x40, s26, s17, $0xb8;
	[tilespmem:$0x1D000] =	vst v63  }
0x85: {  	_ =	swait.ge [sflag:s20], $0x2000  }
0x86: {  	[sflag:s20] =	ssyncset.done $0x0  }
0x87: {  	[sflag:s20] =	ssyncadd.s32 $0xFFFFE000  }
0x88: {  	[spmem:s3] =	stream.indirect.scatter.add.f32 [tilespmem:s18], [sflag:$0x3], $0x40, s22, s17, $0xb8;
	[tilespmem:$0x1D000] =	vst v63  }
0x89: {  	_ =	swait.ge [sflag:s14], $0x2000  }
0x8a: {  	[sflag:s14] =	ssyncset.done $0x0  }
0x8b: {  	[sflag:s14] =	ssyncadd.s32 $0xFFFFE000  }
0x8c: {  	_ =	swait.ge [sflag:s21], $0x2000  }
0x8d: {  	[sflag:s21] =	ssyncset.done $0x0  }
0x8e: {  	[sflag:s21] =	ssyncadd.s32 $0xFFFFE000  }
0x8f: {  	[spmem:s3] =	stream.indirect.scatter.add.f32 [tilespmem:s19], [sflag:$0x3], $0x40, s23, s17, $0xb8;
	[tilespmem:$0x1D000] =	vst v63  }
0x90: {  	_ =	swait.ge [sflag:s14], $0x2000  }
0x91: {  	s24 =	sadd.s32 $0x1, s24;
	[sflag:s14] =	ssyncset.done $0x0  }
0x92: {  	p0 =	sne.s32 s24, s10;
	[sflag:s14] =	ssyncadd.s32 $0xFFFFE000  }
.Ltmp2:
0x93: {  	[bflag:$0x0] =	sbarrier.arrive $0xFFFF;
	(pc) =	sbr.rel @p0 .LBB2_1-.Ltmp2, $4  }
0x94: {  	[hbm:s9], [sflag:s12] =	dma.local [spmem:s15], $0x1400  }
0x95: {  	_ =	swait.ge [sflag:s14], $0x1400  }
0x96: {  	[sflag:s14] =	ssyncset.done $0x0  }
0x97: {  	[sflag:s14] =	ssyncadd.s32 $0xFFFFEC00  }
0x98: {  	_ =	sfence.sel $0x180000  }
0x99: {  	[bflag:$0x0] =	sbarrier.arrive $0xFFFF  }
0x9a: {  	p0 =	sne.s32 s1, $0x0;
	_ =	strace $0x9000004A  }
0x9b: {  	s0 =	sadd.s32 @!p0 $0x100000, s0;
	[bflag:$0x2] =	sbarrier.arrive $0xFFFF  }
0x9c: {  	[sflag:s0] =	ssyncadd.tile.s32 @!p0 $0x1;
	_ =	shalt  }
.Lfunc_end2:
_tile_overlayer_lowered:
.L_overlay_start_2:
0x9d: {  	(tag) =	ssettag $0x2  }
0x9e: {  	s0 =	rddreg [dreg:$0x0];
	s2 =	stileid.u32  }
0x9f: {  	s1 =	rddreg [dreg:$0x1];
	p0 =	sne.s32 s2, $0x0  }
0xa0: {  	s3 =	rddreg [dreg:$0x2];
	[bflag:$0x3] =	sbarrier.arrive $0xFFFF;
	s2 =	simm.s32 @!p0 $0x1C03  }
0xa1: {  	[timem:s3], [sflag:s2] =	dma.local @!p0 [hbm:s0], s1  }
0xa2: {  	s0 =	simm.s32 @!p0 $0x3  }
0xa3: {  	_ =	swait.ge @!p0 [sflag:s0], s1  }
0xa4: {  	s1 =	ssub.s32 @!p0 $0x0, s1;
	[sflag:s0] =	ssyncset.done @!p0 $0x0  }
0xa5: {  	[sflag:s0] =	ssyncadd.s32 @!p0 s1  }
0xa6: {  	[bflag:$0x3] =	sbarrier.arrive $0xFFFF  }
0xa7: {  	_ =	shalt  }

// kernel: kernel.14.cloned.1.call-start
scs
__scs_entry_jumppad:
0x0: {  	(pc) =	sbr.rel $0x88, $3  }
0x1: {  	(tag) =	ssettag $0x0;
	lr =	simm.s32 $0x1  }
0x2: {  	[smem:$0x3F9B] =	sst lr;
	_ =	strace $0xD0000000  }
0x3: {  	_ = 	snop  }
0x4: {  	_ = 	snop  }
0x5: {  	_ = 	snop  }
0x6: {  	_ = 	snop  }
0x7: {  	_ = 	snop  }
__scs_overlays_trampoline_lowered:
0x8: {  	[smem:$0x3FAA] =	sst s0  }
0x9: {  	[smem:$0x3FAB] =	sst s1  }
0xa: {  	[smem:$0x3FAC] =	sst s2  }
0xb: {  	[smem:$0x3FAD] =	sst s3  }
0xc: {  	[smem:$0x3FAE] =	sst s4  }
0xd: {  	[smem:$0x3FAF] =	sst s5  }
0xe: {  	[smem:$0x3FB0] =	sst s6  }
0xf: {  	[smem:$0x3FB1] =	sst s7  }
0x10: {  	[smem:$0x3FB2] =	sst s8  }
0x11: {  	[smem:$0x3FB3] =	sst s9;
	s0 =	simm.s32 @!p0 $0x0  }
0x12: {  	s1 =	sld [smem:$0x3F99];
	s0 =	simm.s32 @p0 $0x1  }
0x13: {  	[smem:$0x3FB4] =	sst s0;
	s0 =	simm.s32 @!p1 $0x0  }
0x14: {  	s2 =	sld [smem:$0x3F98];
	s0 =	simm.s32 @p1 $0x1  }
0x15: {  	[smem:$0x3FB5] =	sst s0;
	s0 =	simm.s32 @!p2 $0x0  }
0x16: {  	s3 =	sld [smem:$0x3FDB];
	s0 =	simm.s32 @p2 $0x1  }
0x17: {  	s4 =	simm.s32 $0x1BF5;
	[smem:$0x3FB7] =	sst s0  }
0x18: {  	s0 =	sld [smem:$0x3F9A];
	_ =	swait.ge [sflag:s4], $0x0  }
0x19: {  	s7 =	sld [smem:$0x3F9B]  }
0x1a: {  	s8 =	sadd.s32 $0xFFFFE003, lr  }
0x1b: {  	s9 =	sadd.s32 $0xFFFFFEF7, lr;
	s5 =	simm.s32 $0xFFFFFFFF;
	p2 =	slt.u32 s8, $0xFFFFF086  }
0x1c: {  	p1 =	slt.u32 s9, $0xF7A;
	s5 =	simm.s32 @!p2 $0x0  }
0x1d: {  	s5 =	simm.s32 @p1 $0x1;
	p0 =	seq.s32 s7, s2  }
0x1e: {  	s7 =	smul.u32 @!p0 $0xF7A, s2;
	p2 =	seq.s32 @!p0 s5, $0x0  }
0x1f: {  	s9 =	smul.u32 $0xF7A, s1;
	s8 =	simm.s32 @!p0 $0x1BF5;
	p2 =	por !p2, p0  }
0x20: {  	[sflag:s8] =	ssyncset.s32 @!p0 $0xFFFFF086;
	s6 =	sadd.s32 @!p0 s3, s7;
	s7 =	simm.s32 @!p0 $0x108  }
0x21: {  	s3 =	sadd.s32 s3, s9;
	s6 =	sadd.s32 @!p0 $0x88, s6;
	s7 =	simm.s32 @p2 $0x1082  }
0x22: {  	[simem:s7], [sflag:s8] =	dma.local @!p0 [hbm:s6], $0xF7A  }
0x23: {  	s9 =	sor.u32 $0xD0000000, s2;
	s6 =	simm.s32 $0x108;
	_ =	swait.ge @!p0 [sflag:s8], $0x0  }
0x24: {  	s3 =	sadd.s32 $0x88, s3;
	s6 =	simm.s32 @!p1 $0x1082;
	[sflag:s4] =	ssyncset.s32 $0xFFFFF086  }
0x25: {  	[simem:s6], [sflag:s4] =	dma.local [hbm:s3], $0xF7A  }
0x26: {  	[smem:$0x3F9B] =	sst s1;
	(tag) =	ssettag s2;
	_ =	strace s9  }
0x27: {  	s1 =	sld [smem:$0x3FAB]  }
0x28: {  	s2 =	sld [smem:$0x3FAC]  }
0x29: {  	s4 =	sld [smem:$0x3FAE]  }
0x2a: {  	p0 =	seq.s32 s5, $0x0;
	s5 =	sld [smem:$0x3FAF]  }
0x2b: {  	s6 =	sld [smem:$0x3FB0]  }
0x2c: {  	s7 =	sld [smem:$0x3FB1]  }
0x2d: {  	s3 =	simm.s32 $0x108;
	s8 =	sld [smem:$0x3FB2]  }
0x2e: {  	s3 =	simm.s32 @!p0 $0x1082;
	s9 =	sld [smem:$0x3FB3]  }
0x2f: {  	lr =	sadd.s32 s0, s3;
	s0 =	sld [smem:$0x3FAA]  }
0x30: {  	s3 =	sld [smem:$0x3FAD]  }
0x31: {  	[smem:$0x3FB6] =	sst s10  }
0x32: {  	s10 =	sld [smem:$0x3FB4];
	_ =	sdelay $0x3  }
0x33: {  	p0 =	seq.s32 s10, $0x1;
	s10 =	sld [smem:$0x3FB6];
	_ =	sdelay $0x3  }
0x34: {  	[smem:$0x3FB6] =	sst s10  }
0x35: {  	s10 =	sld [smem:$0x3FB5];
	_ =	sdelay $0x3  }
0x36: {  	p1 =	seq.s32 s10, $0x1;
	s10 =	sld [smem:$0x3FB6];
	_ =	sdelay $0x3  }
0x37: {  	[smem:$0x3FB6] =	sst s10  }
0x38: {  	s10 =	sld [smem:$0x3FB7]  }
0x39: {  	_ = 	snop;
	(pc) =	sbr.ind lr, $3  }
0x3a: {  	_ = 	snop  }
0x3b: {  	_ = 	snop  }
0x3c: {  	p2 =	seq.s32 s10, $0x1;
	s10 =	sld [smem:$0x3FB6]  }
0x3d: {  	_ =	shalt  }
0x3e: {  	_ =	shalt  }
0x3f: {  	_ =	shalt  }
0x40: {  	_ =	shalt  }
0x41: {  	_ =	shalt  }
0x42: {  	_ =	shalt  }
0x43: {  	_ =	shalt  }
0x44: {  	_ =	shalt  }
0x45: {  	_ =	shalt  }
0x46: {  	_ =	shalt  }
0x47: {  	_ =	shalt  }
0x48: {  	_ =	shalt  }
0x49: {  	_ =	shalt  }
0x4a: {  	_ =	shalt  }
0x4b: {  	_ =	shalt  }
0x4c: {  	_ =	shalt  }
0x4d: {  	_ =	shalt  }
0x4e: {  	_ =	shalt  }
0x4f: {  	_ =	shalt  }
0x50: {  	_ =	shalt  }
0x51: {  	_ =	shalt  }
0x52: {  	_ =	shalt  }
0x53: {  	_ =	shalt  }
0x54: {  	_ =	shalt  }
0x55: {  	_ =	shalt  }
0x56: {  	_ =	shalt  }
0x57: {  	_ =	shalt  }
0x58: {  	_ =	shalt  }
0x59: {  	_ =	shalt  }
0x5a: {  	_ =	shalt  }
0x5b: {  	_ =	shalt  }
0x5c: {  	_ =	shalt  }
0x5d: {  	_ =	shalt  }
0x5e: {  	_ =	shalt  }
0x5f: {  	_ =	shalt  }
0x60: {  	_ =	shalt  }
0x61: {  	_ =	shalt  }
0x62: {  	_ =	shalt  }
0x63: {  	_ =	shalt  }
0x64: {  	_ =	shalt  }
0x65: {  	_ =	shalt  }
0x66: {  	_ =	shalt  }
0x67: {  	_ =	shalt  }
0x68: {  	_ =	shalt  }
0x69: {  	_ =	shalt  }
0x6a: {  	_ =	shalt  }
0x6b: {  	_ =	shalt  }
0x6c: {  	_ =	shalt  }
0x6d: {  	_ =	shalt  }
0x6e: {  	_ =	shalt  }
0x6f: {  	_ =	shalt  }
0x70: {  	_ =	shalt  }
0x71: {  	_ =	shalt  }
0x72: {  	_ =	shalt  }
0x73: {  	_ =	shalt  }
0x74: {  	_ =	shalt  }
0x75: {  	_ =	shalt  }
0x76: {  	_ =	shalt  }
0x77: {  	_ =	shalt  }
0x78: {  	_ =	shalt  }
0x79: {  	_ =	shalt  }
0x7a: {  	_ =	shalt  }
0x7b: {  	_ =	shalt  }
0x7c: {  	_ =	shalt  }
0x7d: {  	_ =	shalt  }
0x7e: {  	_ =	shalt  }
0x7f: {  	_ =	shalt  }
0x80: {  	_ =	shalt  }
0x81: {  	_ =	shalt  }
0x82: {  	_ =	shalt  }
0x83: {  	_ =	shalt  }
0x84: {  	_ =	shalt  }
0x85: {  	_ =	shalt  }
0x86: {  	_ =	shalt  }
0x87: {  	_ =	shalt  }
.Lfunc_end0:
.L_simem_size_0:
called_computation.2_lowered:
.L_overlay_start_0:
0x88: {  	s2 =	sld [smem:$0x3FD9]  }
0x89: {  	s3 =	sld [smem:$0x3FFE];
	_ =	sdelay $0x1  }
0x8a: {  	s1 =	srdreg.scid  }
0x8b: {  	s0 =	sand.u32 $0x1, s1  }
0x8c: {  	s17 =	sshll.u32 s0, $0xA;
	s2 =	sadd.s32 s3, s2  }
0x8d: {  	s2 =	sadd.s32 s2, s17  }
0x8e: {  	[smem:$0x3FC2] =	sst s2  }
0x8f: {  	_ = 	snop  }
0x90: {  	s2 =	sld [smem:$0x3FD0];
	(tm) =	ssettm $0x1  }
0x91: {  	s18 =	sld [smem:$0x3FFB];
	_ =	sdelay $0x3  }
0x92: {  	_ =	strace s18  }
0x93: {  	s3 =	sld [smem:$0x3FFC];
	_ =	sdelay $0x3  }
0x94: {  	_ =	strace s3  }
0x95: {  	s3 =	sld [smem:$0x3FFD];
	_ =	sdelay $0x3  }
0x96: {  	_ =	strace s3  }
0x97: {  	_ =	strace $0x8FFFFFFF  }
0x98: {  	s19 =	sld [smem:$0x3FDB];
	_ =	sdelay $0x1  }
0x99: {  	s4 =	simm.s32 $_scs_section_size  }
0x9a: {  	s5 =	simm.s32 $_size__tile_overlayer_lowered;
	s6 =	simm.s32 $_tile_overlayer_lowered  }
0x9b: {  	s22 =	simm.s32 $0x1BFF;
	s21 =	sshll.u32 s6, $0x1;
	s3 =	sadd.s32 s4, s19  }
0x9c: {  	s7 =	simm.s32 $0x0;
	s20 =	sshll.u32 s5, $0x1;
	s5 =	sadd.s32 s21, s3  }
0x9d: {  	[timem:s7], [sflag:s22] =	dma.local [hbm:s5], s20  }
0x9e: {  	_ =	swait.ge [sflag:s22], s20  }
0x9f: {  	s4 =	ssub.s32 $0x0, s20;
	[sflag:s22] =	ssyncset.done $0x0  }
0xa0: {  	[sflag:s22] =	ssyncadd.s32 s4;
	_ =	sdelay $0x1  }
0xa1: {  	s23 =	simm.s32 $0x1B8B  }
0xa2: {  	_ =	swait.ge [sflag:s23], $0x1  }
0xa3: {  	[sflag:s23] =	ssyncset.done $0x0  }
0xa4: {  	s25 =	simm.s32 $0x1B8E;
	s24 =	sld [smem:$0x3FFE];
	[sflag:s23] =	ssyncadd.s32 $0xFFFFFFFF  }
0xa5: {  	s26 =	simm.s32 $execute0_lowered;
	[smem:$0x3FD2] =	sst s25  }
0xa6: {  	s5 =	sshll.u32 s26, $0x1;
	_ =	strace $0x8000004C;
	[dreg:$0x1] =	wrdreg $0xFFFFFFFF  }
0xa7: {  	s28 =	simm.s32 $_size_execute0_lowered;
	s3 =	sadd.s32 s3, s5;
	[dreg:$0x0] =	wrdreg $0x0  }
0xa8: {  	s5 =	sshll.u32 s28, $0x1;
	[dreg:$0x2] =	wrdreg s3  }
0xa9: {  	[dreg:$0x3] =	wrdreg s5  }
0xaa: {  	[dreg:$0x4] =	wrdreg $0xC0  }
0xab: {  	_ =	task [dreg:s7], $0x5FFFF  }
0xac: {  	[dreg:$0x1] =	wrdreg $0xFFFFFFFF  }
0xad: {  	[dreg:$0x0] =	wrdreg $0x60  }
0xae: {  	[dreg:$0x2] =	wrdreg s24  }
0xaf: {  	[dreg:$0x3] =	wrdreg s2  }
0xb0: {  	[dreg:$0x4] =	wrdreg $0x130000  }
0xb1: {  	[dreg:$0x5] =	wrdreg $0x90000  }
0xb2: {  	[dreg:$0x6] =	wrdreg $0x9  }
0xb3: {  	_ =	task.clear_ibuf [dreg:s7], $0x7FFFF;
	_ =	strace $0x9000004C  }
0xb4: {  	s29 =	simm.s32 $0x9;
	_ =	strace $0x8000004E  }
0xb5: {  	_ =	swait.ge [sflag:s29], $0x1  }
0xb6: {  	[sflag:s29] =	ssyncadd.s32 $0xFFFFFFFF  }
0xb7: {  	_ =	strace $0x9000004E  }
0xb8: {  	_ =	sfence  }
0xb9: {  	s30 =	sld [smem:$0x0];
	_ =	sdelay $0x2  }
0xba: {  	s31 =	sshll.u32 s1, $0xD;
	s1 =	sshrl.u32 s1, $0x2  }
0xbb: {  	s3 =	sand.u32 $0x4000, s31;
	s1 =	sadd.s32 s1, s30  }
0xbc: {  	s0 =	sor.u32 s3, s0;
	s1 =	sshll.u32 s1, $0x11  }
0xbd: {  	s0 =	sor.u32 s1, s0  }
0xbe: {  	s0 =	sadd.s32 $0x8F2B, s0  }
0xbf: {  	[sflag:s0] =	ssyncadd.remote.s32 $0x1  }
0xc0: {  	_ =	sfence.sel $0xFFFF  }
0xc1: {  	[dreg:$0x0] =	wrdreg $0xFFFFFFFF;
	(pc) =	sbr.abs _section_cstart, $3  }
0xc2: {  	[dreg:$0x1] =	wrdreg $0xFFFFFFFF  }
0xc3: {  	_ =	task.clear_ibuf [dreg:s7], $0x2FFFF;
	_ =	strace $0x9FFFFFFF  }
0xc4: {  	(tm) =	ssettm $0x7FFFFFFF  }
0xc5: {  	_ =	shalt  }
tec
execute0_lowered:
.L_overlay_start_1:
0x0: {  	(tag) =	ssettag $0x1  }
0x1: {  	s5 =	rddreg [dreg:$0x0]  }
0x2: {  	s9 =	rddreg [dreg:$0x1]  }
0x3: {  	s2 =	rddreg [dreg:$0x2]  }
0x4: {  	s3 =	rddreg [dreg:$0x3]  }
0x5: {  	s0 =	rddreg [dreg:$0x4]  }
0x6: {  	s1 =	stileid.u32;
	s6 =	srdreg.scid  }
0x7: {  	s4 =	simm.s32 $0x0;
	s18 =	simm.s32 $0x7000;
	s19 =	simm.s32 $0x1  }
0x8: {  	s20 =	simm.s32 $0x2;
	s21 =	simm.s32 $0x4F00;
	s22 =	simm.s32 $0x4F80  }
0x9: {  	s23 =	simm.s32 $0x0;
	s7 =	smul.u32 $0xA000, s1;
	s12 =	sand.u32 $0x1, s6  }
0xa: {  	[smem:$0x7FF] =	sst s4;
	s31 =	sshll.u32 s1, $0x6;
	s6 =	sshll.u32 s12, $0x4  }
0xb: {  	s8 =	smul.u32 $0xA0000, s12;
	_ =	strace $0x8000004D;
	s30 =	ssub.s32 $0x2, s12  }
0xc: {  	p0 =	seq.s32 s12, $0x0;
	s10 =	sshrl.u32 s7, $0x3;
	s6 =	sor.u32 s1, s6  }
0xd: {  	s13 =	sshrl.u32 s30, $0x1;
	s16 =	sadd.s32 s7, s2;
	s17 =	sadd.s32 s7, s3  }
0xe: {  	s11 =	smul.u32 $0x500, s6;
	s29 =	sadd.s32 s7, s8;
	s10 =	sadd.s32 s10, s5  }
0xf: {  	s13 =	ssub.s32 s30, s13;
	s12 =	sshrl.u32 s16, $0x3;
	s16 =	simm.s32 $0x80  }
0x10: {  	s6 =	sshrl.u32 s29, $0x3;
	s7 =	sadd.s32 $0x1FA00, s10;
	s14 =	sadd.s32 s11, s5  }
0x11: {  	s15 =	sadd.s32 s6, s5;
	s5 =	sadd.s32 $0x1A00, s10;
	s6 =	sor.u32 $0x1C03, s31  }
0x12: {  	s9 =	sadd.s32 s9, s11;
	s11 =	smax.u32 s13, $0x1;
	s13 =	simm.s32 $0x3  }
0x13: {  	s8 =	sadd.s32 $0x15A00, s14;
	s10 =	sadd.s32 $0x33A00, s15;
	s7 =	smov.u32 @p0 s5  }
0x14: {  	s14 =	sshrl.u32 s17, $0x3;
	s15 =	simm.s32 $0x2800;
	s17 =	simm.s32 $0x5000  }
.LBB2_1:
0x15: {  	[spmem:s12], [sflag:s6] =	dma.local [hbm:s5], $0x1400  }
0x16: {  	_ =	swait.ge [sflag:s13], $0x1400  }
0x17: {  	[sflag:s13] =	ssyncset.done $0x0  }
0x18: {  	[sflag:s13] =	ssyncadd.s32 $0xFFFFEC00  }
0x19: {  	[spmem:s14], [sflag:s6] =	dma.local [hbm:s7], $0x1400  }
0x1a: {  	_ =	swait.ge [sflag:s13], $0x1400  }
0x1b: {  	[sflag:s13] =	ssyncset.done $0x0  }
0x1c: {  	[sflag:s13] =	ssyncadd.s32 $0xFFFFEC00  }
0x1d: {  	[bflag:$0x0] =	sbarrier.arrive $0xFFFF  }
0x1e: {  	[tilespmem:s4], [sflag:$0x3] =	stream.linear.gather [hbm4b:s8+s4], $0x2800, $0x38;
	[tilespmem:$0x1D000] =	vst v63  }
0x1f: {  	_ =	swait.ge [sflag:s13], $0x2800  }
0x20: {  	[sflag:s13] =	ssyncset.done $0x0  }
0x21: {  	[sflag:s13] =	ssyncadd.s32 $0xFFFFD800  }
0x22: {  	[tilespmem:s15], [sflag:$0x3] =	stream.linear.gather [hbm4b:s9+s4], $0x2800, $0x38;
	[tilespmem:$0x1D000] =	vst v63  }
0x23: {  	_ =	swait.ge [sflag:s13], $0x2800  }
0x24: {  	[sflag:s13] =	ssyncset.done $0x0  }
0x25: {  	[sflag:s13] =	ssyncadd.s32 $0xFFFFD800  }
0x26: {  	[tilespmem:s17], [sflag:$0x1] =	stream.indirect.gather [spmem:s2], $0x40, s4, s16, $0xb8;
	[tilespmem:$0x1D000] =	vst v63  }
0x27: {  	_ = 	snop  }
0x28: {  	[tilespmem:s18], [sflag:$0x2] =	stream.indirect.gather [spmem:s2], $0x40, s16, s16, $0xb8;
	[tilespmem:$0x1D000] =	vst v63  }
0x29: {  	_ =	swait.ge [sflag:s19], $0x2000  }
0x2a: {  	[sflag:s19] =	ssyncset.done $0x0  }
0x2b: {  	s24 =	simm.s32 $0x2800;
	[sflag:s19] =	ssyncadd.s32 $0xFFFFE000  }
0x2c: {  	[spmem:s3] =	stream.indirect.scatter.add.f32 [tilespmem:s17], [sflag:$0x3], $0x40, s24, s16, $0xb8;
	[tilespmem:$0x1D000] =	vst v63  }
0x2d: {  	_ =	swait.ge [sflag:s13], $0x2000  }
0x2e: {  	[sflag:s13] =	ssyncset.done $0x0  }
0x2f: {  	s30 =	simm.s32 $0x100;
	[sflag:s13] =	ssyncadd.s32 $0xFFFFE000  }
0x30: {  	[tilespmem:s17], [sflag:$0x1] =	stream.indirect.gather [spmem:s2], $0x40, s30, s16, $0xb8;
	[tilespmem:$0x1D000] =	vst v63  }
0x31: {  	_ =	swait.ge [sflag:s20], $0x2000  }
0x32: {  	[sflag:s20] =	ssyncset.done $0x0  }
0x33: {  	s31 =	simm.s32 $0x2880;
	[sflag:s20] =	ssyncadd.s32 $0xFFFFE000  }
0x34: {  	[spmem:s3] =	stream.indirect.scatter.add.f32 [tilespmem:s18], [sflag:$0x3], $0x40, s31, s16, $0xb8;
	[tilespmem:$0x1D000] =	vst v63  }
0x35: {  	_ =	swait.ge [sflag:s13], $0x2000  }
0x36: {  	[sflag:s13] =	ssyncset.done $0x0  }
0x37: {  	s25 =	simm.s32 $0x180;
	s24 =	simm.s32 $0x400;
	[sflag:s13] =	ssyncadd.s32 $0xFFFFE000  }
.LBB2_2:
0x38: {  	[tilespmem:s18], [sflag:$0x2] =	stream.indirect.gather [spmem:s2], $0x40, s25, s16, $0xb8;
	[tilespmem:$0x1D000] =	vst v63  }
0x39: {  	s25 =	smov.u32 s24  }
0x3a: {  	p0 =	sne.s32 s24, $0x9800;
	s24 =	sadd.s32 $0x400, s24;
	_ =	swait.ge [sflag:s19], $0x2000  }
0x3b: {  	s25 =	sshra.s32 s25, $0x2;
	[sflag:s19] =	ssyncset.done $0x0  }
0x3c: {  	s26 =	sadd.s32 $0x2800, s25;
	[sflag:s19] =	ssyncadd.s32 $0xFFFFE000  }
0x3d: {  	[spmem:s3] =	stream.indirect.scatter.add.f32 [tilespmem:s17], [sflag:$0x3], $0x40, s26, s16, $0xb8;
	[tilespmem:$0x1D000] =	vst v63  }
0x3e: {  	_ =	swait.ge [sflag:s13], $0x2000  }
0x3f: {  	[sflag:s13] =	ssyncset.done $0x0  }
0x40: {  	s26 =	sadd.s32 $0x100, s25;
	[sflag:s13] =	ssyncadd.s32 $0xFFFFE000  }
0x41: {  	[tilespmem:s17], [sflag:$0x1] =	stream.indirect.gather [spmem:s2], $0x40, s26, s16, $0xb8;
	[tilespmem:$0x1D000] =	vst v63  }
0x42: {  	_ =	swait.ge [sflag:s20], $0x2000  }
0x43: {  	[sflag:s20] =	ssyncset.done $0x0  }
.Ltmp0:
0x44: {  	s26 =	sadd.s32 $0x2880, s25;
	[sflag:s20] =	ssyncadd.s32 $0xFFFFE000;
	(pc) =	sbr.rel @p0 .LBB2_2-.Ltmp0, $4  }
0x45: {  	[spmem:s3] =	stream.indirect.scatter.add.f32 [tilespmem:s18], [sflag:$0x3], $0x40, s26, s16, $0xb8;
	[tilespmem:$0x1D000] =	vst v63  }
0x46: {  	_ =	swait.ge [sflag:s13], $0x2000  }
0x47: {  	[sflag:s13] =	ssyncset.done $0x0  }
0x48: {  	s25 =	sadd.s32 $0x180, s25;
	[sflag:s13] =	ssyncadd.s32 $0xFFFFE000  }
0x49: {  	[tilespmem:s18], [sflag:$0x2] =	stream.indirect.gather [spmem:s2], $0x40, s25, s16, $0xb8;
	[tilespmem:$0x1D000] =	vst v63  }
0x4a: {  	_ =	swait.ge [sflag:s19], $0x2000  }
0x4b: {  	[sflag:s19] =	ssyncset.done $0x0  }
0x4c: {  	[sflag:s19] =	ssyncadd.s32 $0xFFFFE000  }
0x4d: {  	[spmem:s3] =	stream.indirect.scatter.add.f32 [tilespmem:s17], [sflag:$0x3], $0x40, s21, s16, $0xb8;
	[tilespmem:$0x1D000] =	vst v63  }
0x4e: {  	_ =	swait.ge [sflag:s13], $0x2000  }
0x4f: {  	[sflag:s13] =	ssyncset.done $0x0  }
0x50: {  	[sflag:s13] =	ssyncadd.s32 $0xFFFFE000  }
0x51: {  	_ =	swait.ge [sflag:s20], $0x2000  }
0x52: {  	[sflag:s20] =	ssyncset.done $0x0  }
0x53: {  	[sflag:s20] =	ssyncadd.s32 $0xFFFFE000  }
0x54: {  	[spmem:s3] =	stream.indirect.scatter.add.f32 [tilespmem:s18], [sflag:$0x3], $0x40, s22, s16, $0xb8;
	[tilespmem:$0x1D000] =	vst v63  }
0x55: {  	_ =	swait.ge [sflag:s13], $0x2000  }
0x56: {  	s23 =	sadd.s32 $0x1, s23;
	[sflag:s13] =	ssyncset.done $0x0  }
0x57: {  	p0 =	sne.s32 s23, s11;
	[sflag:s13] =	ssyncadd.s32 $0xFFFFE000  }
.Ltmp1:
0x58: {  	[bflag:$0x0] =	sbarrier.arrive $0xFFFF;
	(pc) =	sbr.rel @p0 .LBB2_1-.Ltmp1, $4  }
0x59: {  	[hbm:s10], [sflag:s6] =	dma.local [spmem:s14], $0x1400  }
0x5a: {  	_ =	swait.ge [sflag:s13], $0x1400  }
0x5b: {  	[sflag:s13] =	ssyncset.done $0x0  }
0x5c: {  	[sflag:s13] =	ssyncadd.s32 $0xFFFFEC00  }
0x5d: {  	_ =	sfence.sel $0x180000  }
0x5e: {  	[bflag:$0x0] =	sbarrier.arrive $0xFFFF  }
0x5f: {  	p0 =	sne.s32 s1, $0x0;
	_ =	strace $0x9000004D  }
0x60: {  	s0 =	sadd.s32 @!p0 $0x100000, s0;
	[bflag:$0x2] =	sbarrier.arrive $0xFFFF  }
0x61: {  	[sflag:s0] =	ssyncadd.tile.s32 @!p0 $0x1;
	_ =	shalt  }
.Lfunc_end2:
_tile_overlayer_lowered:
.L_overlay_start_2:
0x62: {  	(tag) =	ssettag $0x2  }
0x63: {  	s0 =	rddreg [dreg:$0x0];
	s2 =	stileid.u32  }
0x64: {  	s1 =	rddreg [dreg:$0x1];
	p0 =	sne.s32 s2, $0x0  }
0x65: {  	s3 =	rddreg [dreg:$0x2];
	[bflag:$0x3] =	sbarrier.arrive $0xFFFF;
	s2 =	simm.s32 @!p0 $0x1C03  }
0x66: {  	[timem:s3], [sflag:s2] =	dma.local @!p0 [hbm:s0], s1  }
0x67: {  	s0 =	simm.s32 @!p0 $0x3  }
0x68: {  	_ =	swait.ge @!p0 [sflag:s0], s1  }
0x69: {  	s1 =	ssub.s32 @!p0 $0x0, s1;
	[sflag:s0] =	ssyncset.done @!p0 $0x0  }
0x6a: {  	[sflag:s0] =	ssyncadd.s32 @!p0 s1  }
0x6b: {  	[bflag:$0x3] =	sbarrier.arrive $0xFFFF  }
0x6c: {  	_ =	shalt  }

// kernel: kernel.8.cloned.1.call-start
scs
__scs_entry_jumppad:
0x0: {  	(pc) =	sbr.rel $0x88, $3  }
0x1: {  	(tag) =	ssettag $0x0;
	lr =	simm.s32 $0x1  }
0x2: {  	[smem:$0x3F9B] =	sst lr;
	_ =	strace $0xD0000000  }
0x3: {  	_ = 	snop  }
0x4: {  	_ = 	snop  }
0x5: {  	_ = 	snop  }
0x6: {  	_ = 	snop  }
0x7: {  	_ = 	snop  }
__scs_overlays_trampoline_lowered:
0x8: {  	[smem:$0x3FAA] =	sst s0  }
0x9: {  	[smem:$0x3FAB] =	sst s1  }
0xa: {  	[smem:$0x3FAC] =	sst s2  }
0xb: {  	[smem:$0x3FAD] =	sst s3  }
0xc: {  	[smem:$0x3FAE] =	sst s4  }
0xd: {  	[smem:$0x3FAF] =	sst s5  }
0xe: {  	[smem:$0x3FB0] =	sst s6  }
0xf: {  	[smem:$0x3FB1] =	sst s7  }
0x10: {  	[smem:$0x3FB2] =	sst s8  }
0x11: {  	[smem:$0x3FB3] =	sst s9;
	s0 =	simm.s32 @!p0 $0x0  }
0x12: {  	s1 =	sld [smem:$0x3F99];
	s0 =	simm.s32 @p0 $0x1  }
0x13: {  	[smem:$0x3FB4] =	sst s0;
	s0 =	simm.s32 @!p1 $0x0  }
0x14: {  	s2 =	sld [smem:$0x3F98];
	s0 =	simm.s32 @p1 $0x1  }
0x15: {  	[smem:$0x3FB5] =	sst s0;
	s0 =	simm.s32 @!p2 $0x0  }
0x16: {  	s3 =	sld [smem:$0x3FDB];
	s0 =	simm.s32 @p2 $0x1  }
0x17: {  	s4 =	simm.s32 $0x1BF5;
	[smem:$0x3FB7] =	sst s0  }
0x18: {  	s0 =	sld [smem:$0x3F9A];
	_ =	swait.ge [sflag:s4], $0x0  }
0x19: {  	s7 =	sld [smem:$0x3F9B]  }
0x1a: {  	s8 =	sadd.s32 $0xFFFFE003, lr  }
0x1b: {  	s9 =	sadd.s32 $0xFFFFFEF7, lr;
	s5 =	simm.s32 $0xFFFFFFFF;
	p2 =	slt.u32 s8, $0xFFFFF086  }
0x1c: {  	p1 =	slt.u32 s9, $0xF7A;
	s5 =	simm.s32 @!p2 $0x0  }
0x1d: {  	s5 =	simm.s32 @p1 $0x1;
	p0 =	seq.s32 s7, s2  }
0x1e: {  	s7 =	smul.u32 @!p0 $0xF7A, s2;
	p2 =	seq.s32 @!p0 s5, $0x0  }
0x1f: {  	s9 =	smul.u32 $0xF7A, s1;
	s8 =	simm.s32 @!p0 $0x1BF5;
	p2 =	por !p2, p0  }
0x20: {  	[sflag:s8] =	ssyncset.s32 @!p0 $0xFFFFF086;
	s6 =	sadd.s32 @!p0 s3, s7;
	s7 =	simm.s32 @!p0 $0x108  }
0x21: {  	s3 =	sadd.s32 s3, s9;
	s6 =	sadd.s32 @!p0 $0x88, s6;
	s7 =	simm.s32 @p2 $0x1082  }
0x22: {  	[simem:s7], [sflag:s8] =	dma.local @!p0 [hbm:s6], $0xF7A  }
0x23: {  	s9 =	sor.u32 $0xD0000000, s2;
	s6 =	simm.s32 $0x108;
	_ =	swait.ge @!p0 [sflag:s8], $0x0  }
0x24: {  	s3 =	sadd.s32 $0x88, s3;
	s6 =	simm.s32 @!p1 $0x1082;
	[sflag:s4] =	ssyncset.s32 $0xFFFFF086  }
0x25: {  	[simem:s6], [sflag:s4] =	dma.local [hbm:s3], $0xF7A  }
0x26: {  	[smem:$0x3F9B] =	sst s1;
	(tag) =	ssettag s2;
	_ =	strace s9  }
0x27: {  	s1 =	sld [smem:$0x3FAB]  }
0x28: {  	s2 =	sld [smem:$0x3FAC]  }
0x29: {  	s4 =	sld [smem:$0x3FAE]  }
0x2a: {  	p0 =	seq.s32 s5, $0x0;
	s5 =	sld [smem:$0x3FAF]  }
0x2b: {  	s6 =	sld [smem:$0x3FB0]  }
0x2c: {  	s7 =	sld [smem:$0x3FB1]  }
0x2d: {  	s3 =	simm.s32 $0x108;
	s8 =	sld [smem:$0x3FB2]  }
0x2e: {  	s3 =	simm.s32 @!p0 $0x1082;
	s9 =	sld [smem:$0x3FB3]  }
0x2f: {  	lr =	sadd.s32 s0, s3;
	s0 =	sld [smem:$0x3FAA]  }
0x30: {  	s3 =	sld [smem:$0x3FAD]  }
0x31: {  	[smem:$0x3FB6] =	sst s10  }
0x32: {  	s10 =	sld [smem:$0x3FB4];
	_ =	sdelay $0x3  }
0x33: {  	p0 =	seq.s32 s10, $0x1;
	s10 =	sld [smem:$0x3FB6];
	_ =	sdelay $0x3  }
0x34: {  	[smem:$0x3FB6] =	sst s10  }
0x35: {  	s10 =	sld [smem:$0x3FB5];
	_ =	sdelay $0x3  }
0x36: {  	p1 =	seq.s32 s10, $0x1;
	s10 =	sld [smem:$0x3FB6];
	_ =	sdelay $0x3  }
0x37: {  	[smem:$0x3FB6] =	sst s10  }
0x38: {  	s10 =	sld [smem:$0x3FB7]  }
0x39: {  	_ = 	snop;
	(pc) =	sbr.ind lr, $3  }
0x3a: {  	_ = 	snop  }
0x3b: {  	_ = 	snop  }
0x3c: {  	p2 =	seq.s32 s10, $0x1;
	s10 =	sld [smem:$0x3FB6]  }
0x3d: {  	_ =	shalt  }
0x3e: {  	_ =	shalt  }
0x3f: {  	_ =	shalt  }
0x40: {  	_ =	shalt  }
0x41: {  	_ =	shalt  }
0x42: {  	_ =	shalt  }
0x43: {  	_ =	shalt  }
0x44: {  	_ =	shalt  }
0x45: {  	_ =	shalt  }
0x46: {  	_ =	shalt  }
0x47: {  	_ =	shalt  }
0x48: {  	_ =	shalt  }
0x49: {  	_ =	shalt  }
0x4a: {  	_ =	shalt  }
0x4b: {  	_ =	shalt  }
0x4c: {  	_ =	shalt  }
0x4d: {  	_ =	shalt  }
0x4e: {  	_ =	shalt  }
0x4f: {  	_ =	shalt  }
0x50: {  	_ =	shalt  }
0x51: {  	_ =	shalt  }
0x52: {  	_ =	shalt  }
0x53: {  	_ =	shalt  }
0x54: {  	_ =	shalt  }
0x55: {  	_ =	shalt  }
0x56: {  	_ =	shalt  }
0x57: {  	_ =	shalt  }
0x58: {  	_ =	shalt  }
0x59: {  	_ =	shalt  }
0x5a: {  	_ =	shalt  }
0x5b: {  	_ =	shalt  }
0x5c: {  	_ =	shalt  }
0x5d: {  	_ =	shalt  }
0x5e: {  	_ =	shalt  }
0x5f: {  	_ =	shalt  }
0x60: {  	_ =	shalt  }
0x61: {  	_ =	shalt  }
0x62: {  	_ =	shalt  }
0x63: {  	_ =	shalt  }
0x64: {  	_ =	shalt  }
0x65: {  	_ =	shalt  }
0x66: {  	_ =	shalt  }
0x67: {  	_ =	shalt  }
0x68: {  	_ =	shalt  }
0x69: {  	_ =	shalt  }
0x6a: {  	_ =	shalt  }
0x6b: {  	_ =	shalt  }
0x6c: {  	_ =	shalt  }
0x6d: {  	_ =	shalt  }
0x6e: {  	_ =	shalt  }
0x6f: {  	_ =	shalt  }
0x70: {  	_ =	shalt  }
0x71: {  	_ =	shalt  }
0x72: {  	_ =	shalt  }
0x73: {  	_ =	shalt  }
0x74: {  	_ =	shalt  }
0x75: {  	_ =	shalt  }
0x76: {  	_ =	shalt  }
0x77: {  	_ =	shalt  }
0x78: {  	_ =	shalt  }
0x79: {  	_ =	shalt  }
0x7a: {  	_ =	shalt  }
0x7b: {  	_ =	shalt  }
0x7c: {  	_ =	shalt  }
0x7d: {  	_ =	shalt  }
0x7e: {  	_ =	shalt  }
0x7f: {  	_ =	shalt  }
0x80: {  	_ =	shalt  }
0x81: {  	_ =	shalt  }
0x82: {  	_ =	shalt  }
0x83: {  	_ =	shalt  }
0x84: {  	_ =	shalt  }
0x85: {  	_ =	shalt  }
0x86: {  	_ =	shalt  }
0x87: {  	_ =	shalt  }
.Lfunc_end0:
.L_simem_size_0:
called_computation_lowered:
.L_overlay_start_0:
0x88: {  	s2 =	sld [smem:$0x3FD9]  }
0x89: {  	s3 =	sld [smem:$0x3FFE];
	_ =	sdelay $0x1  }
0x8a: {  	s1 =	srdreg.scid  }
0x8b: {  	s0 =	sand.u32 $0x1, s1  }
0x8c: {  	s16 =	sshll.u32 s0, $0xA;
	s2 =	sadd.s32 s3, s2  }
0x8d: {  	s2 =	sadd.s32 s2, s16  }
0x8e: {  	[smem:$0x3FC2] =	sst s2  }
0x8f: {  	_ = 	snop  }
0x90: {  	(tm) =	ssettm $0x1  }
0x91: {  	s17 =	sld [smem:$0x3FFB];
	_ =	sdelay $0x3  }
0x92: {  	_ =	strace s17  }
0x93: {  	s2 =	sld [smem:$0x3FFC];
	_ =	sdelay $0x3  }
0x94: {  	_ =	strace s2  }
0x95: {  	s2 =	sld [smem:$0x3FFD];
	_ =	sdelay $0x3  }
0x96: {  	_ =	strace s2  }
0x97: {  	_ =	strace $0x8FFFFFFF  }
0x98: {  	s18 =	sld [smem:$0x3FDB];
	_ =	sdelay $0x1  }
0x99: {  	s19 =	simm.s32 $_scs_section_size  }
0x9a: {  	s4 =	simm.s32 $_size__tile_overlayer_lowered;
	s5 =	simm.s32 $_tile_overlayer_lowered  }
0x9b: {  	s22 =	simm.s32 $0x1BFF;
	s21 =	sshll.u32 s5, $0x1;
	s2 =	sadd.s32 s19, s18  }
0x9c: {  	s6 =	simm.s32 $0x0;
	s20 =	sshll.u32 s4, $0x1;
	s4 =	sadd.s32 s21, s2  }
0x9d: {  	[timem:s6], [sflag:s22] =	dma.local [hbm:s4], s20  }
0x9e: {  	_ =	swait.ge [sflag:s22], s20  }
0x9f: {  	s3 =	ssub.s32 $0x0, s20;
	[sflag:s22] =	ssyncset.done $0x0  }
0xa0: {  	[sflag:s22] =	ssyncadd.s32 s3;
	_ =	sdelay $0x1  }
0xa1: {  	s23 =	simm.s32 $0x1B8B  }
0xa2: {  	_ =	swait.ge [sflag:s23], $0x1  }
0xa3: {  	[sflag:s23] =	ssyncset.done $0x0  }
0xa4: {  	s25 =	simm.s32 $0x1B8E;
	s24 =	sld [smem:$0x3FFE];
	[sflag:s23] =	ssyncadd.s32 $0xFFFFFFFF  }
0xa5: {  	s26 =	simm.s32 $execute0_lowered;
	[smem:$0x3FD2] =	sst s25  }
0xa6: {  	s4 =	sshll.u32 s26, $0x1;
	_ =	strace $0x80000046;
	[dreg:$0x1] =	wrdreg $0xFFFFFFFF  }
0xa7: {  	s28 =	simm.s32 $_size_execute0_lowered;
	s2 =	sadd.s32 s2, s4;
	[dreg:$0x0] =	wrdreg $0x0  }
0xa8: {  	s4 =	sshll.u32 s28, $0x1;
	[dreg:$0x2] =	wrdreg s2  }
0xa9: {  	[dreg:$0x3] =	wrdreg s4  }
0xaa: {  	[dreg:$0x4] =	wrdreg $0xC0  }
0xab: {  	_ =	task [dreg:s6], $0x5FFFF  }
0xac: {  	[dreg:$0x1] =	wrdreg $0xFFFFFFFF  }
0xad: {  	[dreg:$0x0] =	wrdreg $0x60  }
0xae: {  	[dreg:$0x2] =	wrdreg s24  }
0xaf: {  	[dreg:$0x3] =	wrdreg $0x9  }
0xb0: {  	_ =	task.clear_ibuf [dreg:s6], $0x4FFFF;
	_ =	strace $0x90000046  }
0xb1: {  	s29 =	simm.s32 $0x9;
	_ =	strace $0x80000048  }
0xb2: {  	_ =	swait.ge [sflag:s29], $0x1  }
0xb3: {  	[sflag:s29] =	ssyncadd.s32 $0xFFFFFFFF  }
0xb4: {  	_ =	strace $0x90000048  }
0xb5: {  	_ =	sfence  }
0xb6: {  	s30 =	sld [smem:$0x0];
	_ =	sdelay $0x2  }
0xb7: {  	s31 =	sshll.u32 s1, $0xD;
	s1 =	sshrl.u32 s1, $0x2  }
0xb8: {  	s3 =	sand.u32 $0x4000, s31;
	s1 =	sadd.s32 s1, s30  }
0xb9: {  	s0 =	sor.u32 s3, s0;
	s1 =	sshll.u32 s1, $0x11  }
0xba: {  	s0 =	sor.u32 s1, s0  }
0xbb: {  	s0 =	sadd.s32 $0x8F2B, s0  }
0xbc: {  	[sflag:s0] =	ssyncadd.remote.s32 $0x1  }
0xbd: {  	_ =	sfence.sel $0xFFFF  }
0xbe: {  	[dreg:$0x0] =	wrdreg $0xFFFFFFFF;
	(pc) =	sbr.abs _section_cstart, $3  }
0xbf: {  	[dreg:$0x1] =	wrdreg $0xFFFFFFFF  }
0xc0: {  	_ =	task.clear_ibuf [dreg:s6], $0x2FFFF;
	_ =	strace $0x9FFFFFFF  }
0xc1: {  	(tm) =	ssettm $0x7FFFFFFF  }
tec
execute0_lowered:
.L_overlay_start_1:
0x0: {  	(tag) =	ssettag $0x1  }
0x1: {  	s0 =	srdreg.scid  }
0x2: {  	s5 =	rddreg [dreg:$0x0];
	s3 =	sand.u32 $0x1, s0  }
0x3: {  	s2 =	simm.s32 $0x0;
	s0 =	stileid.u32;
	s1 =	sshll.u32 s3, $0x4  }
0x4: {  	s8 =	simm.s32 $0x80;
	s9 =	simm.s32 $0x400;
	s4 =	sor.u32 s0, s1  }
0x5: {  	s10 =	simm.s32 $0x0;
	[smem:$0x7FF] =	sst s2;
	s1 =	sshrl.u32 s4, $0x3  }
0x6: {  	s7 =	sshll.u32 s0, $0x7;
	s3 =	ssub.s32 $0x2, s3;
	s6 =	smul.u32 $0x14000, s1  }
0x7: {  	s7 =	sand.u32 $0x380, s7;
	s31 =	sshrl.u32 s3, $0x1;
	s4 =	smul.u32 $0x500, s4  }
0x8: {  	s1 =	rddreg [dreg:$0x1];
	_ =	strace $0x80000047;
	s6 =	sor.u32 s7, s6  }
0x9: {  	s4 =	sadd.s32 s4, s5;
	s7 =	simm.s32 $0x2800;
	s6 =	sshrl.u32 s6, $0x3  }
0xa: {  	s5 =	sadd.s32 s6, s5;
	s6 =	ssub.s32 s3, s31;
	s3 =	sadd.s32 $0x1A00, s4  }
0xb: {  	v0 =	vimm.f32 $0.0e+00;
	v1 =	vimm.f32 $1.000000000e+00;
	s4 =	sadd.s32 $0xBA00, s5;
	s5 =	smax.u32 s6, $0x1;
	s6 =	simm.s32 $0x1  }
.LBB2_1:
0xc: {  	[tilespmem:s2], [sflag:$0x1] =	stream.linear.gather [hbm4b:s3+s2], $0x2800, $0x38;
	[tilespmem:$0x5000] =	vst v63  }
0xd: {  	_ =	swait.ge [sflag:s6], $0x2800  }
0xe: {  	[sflag:s6] =	ssyncset.done $0x0  }
0xf: {  	s11 =	simm.s32 $0x0;
	[sflag:s6] =	ssyncadd.s32 $0xFFFFD800  }
.LBB2_2:
0x10: {  	p0 =	sne.s32 s11, $0x9FC0  }
.Ltmp0:
0x11: {  	_ = 	snop;
	(pc) =	sbr.rel @p0 .LBB2_2-.Ltmp0, $3  }
0x12: {  	_ =	sdelay $0x1  }
0x13: {  	s12 =	sshra.s32 s11, $0x2  }
0x14: {  	s11 =	sadd.s32 $0x40, s11;
	[tilespmem:s12+$0x2800] =	vst v0  }
0x15: {  	s11 =	simm.s32 $0x0  }
.LBB2_4:
0x16: {  	s12 =	sshra.s32 s11, $0x2  }
0x17: {  	v2 =	vld [tilespmem:s12+$0x0];
	_ =	sdelay $0x7  }
0x18: {  	[tilespmem:v2+s7+$0x0] =	vst.idx.add.f32.msk $0xffff, v1  }
0x19: {  	v2 =	vld [tilespmem:s12+$0x10];
	_ =	sdelay $0x7  }
0x1a: {  	[tilespmem:v2+s7+$0x0] =	vst.idx.add.f32.msk $0xffff, v1  }
0x1b: {  	v2 =	vld [tilespmem:s12+$0x20];
	_ =	sdelay $0x7  }
0x1c: {  	[tilespmem:v2+s7+$0x0] =	vst.idx.add.f32.msk $0xffff, v1  }
0x1d: {  	v2 =	vld [tilespmem:s12+$0x30];
	_ =	sdelay $0x7  }
0x1e: {  	[tilespmem:v2+s7+$0x0] =	vst.idx.add.f32.msk $0xffff, v1  }
0x1f: {  	v2 =	vld [tilespmem:s12+$0x40];
	_ =	sdelay $0x7  }
0x20: {  	[tilespmem:v2+s7+$0x0] =	vst.idx.add.f32.msk $0xffff, v1  }
0x21: {  	v2 =	vld [tilespmem:s12+$0x50];
	_ =	sdelay $0x7  }
0x22: {  	[tilespmem:v2+s7+$0x0] =	vst.idx.add.f32.msk $0xffff, v1  }
0x23: {  	v2 =	vld [tilespmem:s12+$0x60];
	_ =	sdelay $0x7  }
0x24: {  	[tilespmem:v2+s7+$0x0] =	vst.idx.add.f32.msk $0xffff, v1  }
0x25: {  	v2 =	vld [tilespmem:s12+$0x70];
	_ =	sdelay $0x2  }
0x26: {  	p0 =	sne.s32 s11, $0x9E00  }
.Ltmp1:
0x27: {  	_ = 	snop;
	(pc) =	sbr.rel @p0 .LBB2_4-.Ltmp1, $2  }
0x28: {  	_ =	sdelay $0x2  }
0x29: {  	s11 =	sadd.s32 $0x200, s11;
	[tilespmem:v2+s7+$0x0] =	vst.idx.add.f32.msk $0xffff, v1  }
0x2a: {  	s10 =	sadd.s32 $0x1, s10  }
0x2b: {  	p0 =	sne.s32 s10, s5  }
.Ltmp2:
0x2c: {  	_ = 	snop;
	(pc) =	sbr.rel @p0 .LBB2_1-.Ltmp2, $4  }
0x2d: {  	[hbm4b:s4+s8] =	stream.strided.scatter [tilespmem:s7], [sflag:$0x1], $0x2800, s9, s8, $0x38;
	[tilespmem:$0x5000] =	vst v63  }
0x2e: {  	_ =	swait.ge [sflag:s6], $0x2800  }
0x2f: {  	[sflag:s6] =	ssyncset.done $0x0  }
0x30: {  	[sflag:s6] =	ssyncadd.s32 $0xFFFFD800  }
0x31: {  	_ =	sfence.sel $0x180000  }
0x32: {  	[bflag:$0x0] =	sbarrier.arrive $0xFFFF  }
0x33: {  	p0 =	sne.s32 s0, $0x0;
	_ =	strace $0x90000047  }
0x34: {  	s0 =	sadd.s32 @!p0 $0x100000, s1;
	[bflag:$0x2] =	sbarrier.arrive $0xFFFF  }
0x35: {  	[sflag:s0] =	ssyncadd.tile.s32 @!p0 $0x1;
	_ =	shalt  }
.Lfunc_end2:
_tile_overlayer_lowered:
.L_overlay_start_2:
0x36: {  	(tag) =	ssettag $0x2  }
0x37: {  	s0 =	rddreg [dreg:$0x0];
	s2 =	stileid.u32  }
0x38: {  	s1 =	rddreg [dreg:$0x1];
	p0 =	sne.s32 s2, $0x0  }
0x39: {  	s3 =	rddreg [dreg:$0x2];
	[bflag:$0x3] =	sbarrier.arrive $0xFFFF;
	s2 =	simm.s32 @!p0 $0x1C01  }
0x3a: {  	[timem:s3], [sflag:s2] =	dma.local @!p0 [hbm:s0], s1  }
0x3b: {  	s0 =	simm.s32 @!p0 $0x1  }
0x3c: {  	_ =	swait.ge @!p0 [sflag:s0], s1  }
0x3d: {  	s1 =	ssub.s32 @!p0 $0x0, s1;
	[sflag:s0] =	ssyncset.done @!p0 $0x0  }
0x3e: {  	[sflag:s0] =	ssyncadd.s32 @!p0 s1  }
0x3f: {  	[bflag:$0x3] =	sbarrier.arrive $0xFFFF  }
0x40: {  	_ =	shalt  }

</sc_bundles>
